<compile_context>
chip_gen: v7x
topology: tpu7x:2x2x1
jax: 0.10.2.dev20260603
libtpu: 0.0.44.dev20260713+nightly
codegen_flags: <defaults>
</compile_context>

<pallas_src>
import functools

import jax
import jax.numpy as jnp
from jax import lax
from jax.experimental import pallas as pl
from jax.experimental.pallas import tpu as pltpu
from jax.experimental.pallas import tpu_sc as plsc

_NH = 16
_TBLK = 512


def _topk_body(ct_ref, csT_ref, idx_ref, fidx_ref, k0, m2, m3, m4, acc):
    S = csT_ref.shape[1]
    Q = S // 4
    ks = []
    for q in range(4):
        c1 = ct_ref[0, 0:1, :] - csT_ref[0, pl.ds(q * Q, Q), 0:1]
        c2 = ct_ref[0, 1:2, :] - csT_ref[0, pl.ds(q * Q, Q), 1:2]
        d = jnp.sqrt(c1 * c1 + c2 * c2)
        e = lax.bitcast_convert_type(d, jnp.uint32)
        packed = ((e << 2) | q) ^ jnp.uint32(0x80000000)
        ks.append(lax.bitcast_convert_type(packed, jnp.int32))
    def _ce(a, b):
        return jnp.minimum(a, b), jnp.maximum(a, b)
    a, b = _ce(ks[0], ks[1])
    c, d_ = _ce(ks[2], ks[3])
    a, c = _ce(a, c)
    b, d_ = _ce(b, d_)
    b, c = _ce(b, c)
    k0[...], m2[...], m3[...], m4[...] = a, b, c, d_

    iota = lax.broadcasted_iota(jnp.int32, (Q, a.shape[1]), 0)
    umax = jnp.int32(0x7FFFFFFF)

    def body(k, carry):
        kk = k0[...]
        mk = jnp.min(kk, axis=0, keepdims=True)
        prow = jnp.min(jnp.where(kk == mk, iota, Q), axis=0, keepdims=True)
        idx = prow + (mk & 3) * Q
        acc[pl.ds(k, 1), :] = idx
        hit = iota == prow
        nxt = jnp.where(kk < m2[...], m2[...],
                        jnp.where(kk < m3[...], m3[...],
                                  jnp.where(kk < m4[...], m4[...], umax)))
        k0[...] = jnp.where(hit, nxt, kk)
        return carry

    lax.fori_loop(0, _NH, body, 0)
    tr = jnp.transpose(acc[...], (1, 0))
    idx_ref[0] = tr
    bi = pl.program_id(0)
    fidx_ref[0] = tr + bi * S


def _topk_call(coords_target, coords_source):
    b, two, t = coords_target.shape
    s = coords_source.shape[2]
    csT = jnp.transpose(coords_source, (0, 2, 1))
    q = s // 4
    return pl.pallas_call(
        _topk_body,
        grid=(b, t // _TBLK),
        in_specs=[
            pl.BlockSpec((1, 2, _TBLK), lambda i, j: (i, 0, j)),
            pl.BlockSpec((1, s, 2), lambda i, j: (i, 0, 0)),
        ],
        out_specs=(pl.BlockSpec((1, _TBLK, _NH), lambda i, j: (i, j, 0)),
                   pl.BlockSpec((1, _TBLK, _NH), lambda i, j: (i, j, 0))),
        out_shape=(jax.ShapeDtypeStruct((b, t, _NH), jnp.int32),
                   jax.ShapeDtypeStruct((b, t, _NH), jnp.int32)),
        scratch_shapes=[pltpu.VMEM((q, _TBLK), jnp.int32) for _ in range(4)]
        + [pltpu.VMEM((_NH, _TBLK), jnp.int32)],
    )(coords_target, csT)


_NWORK = 32
_CHUNK = 128
_TPW = 256


def _sc_gather(xflat, idx3, cflat, ctflat, b, t):
    n_chunks = idx3.shape[1]
    e = xflat.shape[1]
    bs = cflat.shape[0] // 2
    bt = b * t
    nrows = idx3.shape[0] * n_chunks * _CHUNK
    per_w = n_chunks * _CHUNK
    tiles_per_b = t // _TPW
    mesh = plsc.VectorSubcoreMesh(core_axis_name="c", subcore_axis_name="s")

    @functools.partial(
        pl.kernel,
        mesh=mesh,
        compiler_params=pltpu.CompilerParams(
            use_tc_tiling_on_sc=False, needs_layout_passes=False),
        out_type=(
            jax.ShapeDtypeStruct((nrows, e), jnp.float32),
            jax.ShapeDtypeStruct((b, 2, t, _NH), jnp.float32),
        ),
        scratch_types=[
            pltpu.VMEM((n_chunks, _CHUNK), jnp.int32),
            pltpu.VMEM((_CHUNK, e), jnp.float32),
            pltpu.VMEM((_CHUNK, e), jnp.float32),
            pltpu.VMEM((_CHUNK, e), jnp.float32),
            pltpu.VMEM((_CHUNK, e), jnp.float32),
            pltpu.VMEM(cflat.shape, jnp.float32),
            pltpu.VMEM((2 * _TPW,), jnp.float32),
            pltpu.VMEM((2, _TPW, _NH), jnp.float32),
            pltpu.SemaphoreType.DMA,
            pltpu.SemaphoreType.DMA,
            pltpu.SemaphoreType.DMA,
            pltpu.SemaphoreType.DMA,
        ],
    )
    def gather_kernel(x_hbm, idx_hbm, ct_hbm, c_hbm, out_hbm, cs_hbm,
                      idxv, rows0, rows1, rows2, rows3, csv, ctv, cso,
                      sem0, sem1, sem2, sem3):
        wid = lax.axis_index("s") * 2 + lax.axis_index("c")
        bi = wid // tiles_per_b
        t0 = (wid % tiles_per_b) * _TPW
        pltpu.sync_copy(idx_hbm.at[wid], idxv)
        pltpu.sync_copy(c_hbm, csv)
        for c in range(2):
            pltpu.sync_copy(ct_hbm.at[pl.ds(c * bt + wid * _TPW, _TPW)],
                            ctv.at[pl.ds(c * _TPW, _TPW)])

        def cs_body(ti, carry):
            row = ti // (_CHUNK // _NH)
            col = (ti % (_CHUNK // _NH)) * _NH
            nid = idxv[row, pl.ds(col, _NH)]
            for c in range(2):
                src = plsc.load_gather(csv, [nid + c * bs])
                tgt = plsc.load_gather(
                    ctv, [jnp.full((_NH,), c * _TPW, jnp.int32) + ti])
                cso[c, ti, :] = tgt - src
            return carry

        lax.fori_loop(0, _TPW, cs_body, 0)
        for c in range(2):
            pltpu.sync_copy(cso.at[c], cs_hbm.at[bi, c, pl.ds(t0, _TPW)])

        bufs = (rows0, rows1, rows2, rows3)
        sems = (sem0, sem1, sem2, sem3)

        def body(g, carry):
            cps = []
            for i in range(4):
                cps.append(pltpu.async_copy(
                    x_hbm.at[idxv.at[4 * g + i]], bufs[i], sems[i]))
            for i in range(4):
                cps[i].wait()
                pltpu.sync_copy(
                    bufs[i],
                    out_hbm.at[pl.ds(wid * per_w + (4 * g + i) * _CHUNK,
                                     _CHUNK)])
            return carry

        lax.fori_loop(0, n_chunks // 4, body, 0)

    return gather_kernel(xflat, idx3, ctflat, cflat)


def kernel(x, coords_target, coords_source):
    b, s, e = x.shape
    t = coords_target.shape[2]
    idx, flat_idx = _topk_call(coords_target, coords_source)
    idx3 = flat_idx.reshape(_NWORK, (b * t * _NH) // (_NWORK * _CHUNK), _CHUNK)
    cflat = jnp.transpose(coords_source, (1, 0, 2)).reshape(2 * b * s)
    ctflat = jnp.transpose(coords_target, (1, 0, 2)).reshape(2 * b * t)
    rows, cs = _sc_gather(x.reshape(b * s, e), idx3, cflat, ctflat, b, t)
    x_bs = rows.reshape(b, t, _NH, e)
    return (x_bs, idx, cs)

# --- scband reference (transcript-rebuilt; emitter-appended) ---
"""Pipeline reference for scband-nn-layer-23330262352162 (READ-ONLY COPY).

The authoritative reference and input builder live on the scoring server;
editing this copy changes nothing except your own understanding.
"""

import jax, jax.numpy as jnp
import numpy as np

NH = 16

def setup_inputs(seed: int = 0) -> dict:
    key = jax.random.key(seed)
    k1, k2, k3 = jax.random.split(key, 3)
    x = jax.random.normal(k1, (4, 2048, 128), dtype=jnp.float32)
    coords_target = jax.random.uniform(k2, (4, 2, 2048), dtype=jnp.float32)
    coords_source = jax.random.uniform(k3, (4, 2, 2048), dtype=jnp.float32)
    return {"x": x, "coords_target": coords_target, "coords_source": coords_source}

def reference(x, coords_target, coords_source):
    # nn_layer.forward with nh=16, both_dims=False, cart=True, batch_size=-1 (single chunk),
    # d_mat=None, skip_self=False.
    nh = NH
    b, s, e = x.shape
    # get_coord_relation: [b,2,t,1] - [b,2,1,s] -> [b,2,t,s]
    diff = coords_target[:, :, :, None] - coords_source[:, :, None, :]
    c1 = diff[:, 0, :, :]
    c2 = diff[:, 1, :, :]
    d_mat = jnp.sqrt(c1 ** 2 + c2 ** 2)  # [b,t,s]
    # torch: sort full row ascending then slice first nh (skip_self=False)
    idx = jnp.argsort(d_mat, axis=-1)[:, :, :nh]  # [b,t,nh]
    batch_ix = jnp.arange(b)[:, None, None]
    # gather neighbor features: equivalent to flat gather x.view(b*s,e)[indices+shift] then slice nh
    x_bs = x[batch_ix, idx]  # [b,t,nh,e]
    c1g = jnp.take_along_axis(c1, idx, axis=-1)  # [b,t,nh]
    c2g = jnp.take_along_axis(c2, idx, axis=-1)
    cs = jnp.stack([c1g, c2g], axis=1)  # [b,2,t,nh]
    return (x_bs, idx, cs)

if __name__ == "__main__":
    import jax
    _d = setup_inputs()
    print(jax.jit(kernel)(*tuple(_d.values())))

</pallas_src>

<mosaic_0001>
#map = affine_map<(d0, d1) -> (0, 0)>
#map1 = affine_map<(d0, d1) -> (0, 0, 0)>
#map2 = affine_map<(d0, d1) -> (0)>
#map3 = affine_map<(d0, d1) -> (0, 0, 0, 0)>
module attributes {stable_mosaic.version = 14 : i64} {
  func.func @gather_kernel(%arg0: i32, %arg1: i32, %arg2: memref<8192x128xf32, #tpu.memory_space<hbm>>, %arg3: memref<32x32x128xi32, #tpu.memory_space<hbm>>, %arg4: memref<16384xf32, #tpu.memory_space<hbm>>, %arg5: memref<16384xf32, #tpu.memory_space<hbm>>, %arg6: memref<131072x128xf32, #tpu.memory_space<hbm>>, %arg7: memref<4x2x2048x16xf32, #tpu.memory_space<hbm>>, %arg8: memref<32x128xi32, #tpu.memory_space<vmem>>, %arg9: memref<128x128xf32, #tpu.memory_space<vmem>>, %arg10: memref<128x128xf32, #tpu.memory_space<vmem>>, %arg11: memref<128x128xf32, #tpu.memory_space<vmem>>, %arg12: memref<128x128xf32, #tpu.memory_space<vmem>>, %arg13: memref<16384xf32, #tpu.memory_space<vmem>>, %arg14: memref<512xf32, #tpu.memory_space<vmem>>, %arg15: memref<2x256x16xf32, #tpu.memory_space<vmem>>, %arg16: memref<!tpu.dma_semaphore, #tpu.memory_space<semaphore_mem>>, %arg17: memref<!tpu.dma_semaphore, #tpu.memory_space<semaphore_mem>>, %arg18: memref<!tpu.dma_semaphore, #tpu.memory_space<semaphore_mem>>, %arg19: memref<!tpu.dma_semaphore, #tpu.memory_space<semaphore_mem>>) attributes {dimension_semantics = [#tpu.dimension_semantics<core_parallel>, #tpu.dimension_semantics<subcore_parallel>], iteration_bounds = array<i64: 2, 16>, scalar_prefetch = 0 : i64, scratch_operands = 12 : i64, tpu.core_type = #tpu.core_type<sc_vector_subcore>, window_params = [{transform_indices = #map}, {transform_indices = #map1}, {transform_indices = #map2}, {transform_indices = #map2}, {transform_indices = #map}, {transform_indices = #map3}]} {
    %mul3A = arith.constant 2 : i32
    %mul3A_0 = arith.muli %arg1, %mul3A : i32
    %add3A = arith.addi %mul3A_0, %arg0 : i32
    %jit3A = arith.constant 8 : i32
    %div3A = arith.divsi %add3A, %jit3A : i32
    %sign3A = arith.constant 0 : i32
    %sign3A_1 = arith.cmpi sgt, %add3A, %sign3A : i32
    %sign3A_2 = arith.extui %sign3A_1 : i1 to i32
    %sign3A_3 = arith.constant 0 : i32
    %sign3A_4 = arith.cmpi slt, %add3A, %sign3A_3 : i32
    %sign3A_5 = arith.extui %sign3A_4 : i1 to i32
    %sign3A_6 = arith.subi %sign3A_2, %sign3A_5 : i32
    %sign3A_7 = arith.constant 0 : i32
    %sign3A_8 = arith.cmpi sgt, %jit3A, %sign3A_7 : i32
    %sign3A_9 = arith.extui %sign3A_8 : i1 to i32
    %sign3A_10 = arith.constant 0 : i32
    %sign3A_11 = arith.cmpi slt, %jit3A, %sign3A_10 : i32
    %sign3A_12 = arith.extui %sign3A_11 : i1 to i32
    %sign3A_13 = arith.subi %sign3A_9, %sign3A_12 : i32
    %ne3A = arith.cmpi ne, %sign3A_6, %sign3A_13 : i32
    %rem3A = arith.remsi %add3A, %jit3A : i32
    %ne3A_14 = arith.constant 0 : i32
    %ne3A_15 = arith.cmpi ne, %rem3A, %ne3A_14 : i32
    %and3A = arith.andi %ne3A, %ne3A_15 : i1
    %sub3A = arith.constant 1 : i32
    %sub3A_16 = arith.subi %div3A, %sub3A : i32
    %select_n3A = arith.select %and3A, %sub3A_16, %div3A : i32
    %jit3A_17 = arith.constant 8 : i32
    %eq3A = arith.constant 0 : i32
    %eq3A_18 = arith.cmpi eq, %jit3A_17, %eq3A : i32
    %jit3A_19 = arith.constant 1 : i32
    %select_n3A_20 = arith.select %eq3A_18, %jit3A_19, %jit3A_17 : i32
    %rem3A_21 = arith.remsi %add3A, %select_n3A_20 : i32
    %ne3A_22 = arith.constant 0 : i32
    %ne3A_23 = arith.cmpi ne, %rem3A_21, %ne3A_22 : i32
    %lt3A = arith.constant 0 : i32
    %lt3A_24 = arith.cmpi slt, %rem3A_21, %lt3A : i32
    %lt3A_25 = arith.constant 0 : i32
    %lt3A_26 = arith.cmpi slt, %select_n3A_20, %lt3A_25 : i32
    %ne3A_27 = arith.xori %lt3A_24, %lt3A_26 : i1
    %and3A_28 = arith.andi %ne3A_27, %ne3A_23 : i1
    %add3A_29 = arith.addi %rem3A_21, %select_n3A_20 : i32
    %select_n3A_30 = arith.select %and3A_28, %add3A_29, %rem3A_21 : i32
    %mul3A_31 = arith.constant 256 : i32
    %mul3A_32 = arith.muli %select_n3A_30, %mul3A_31 : i32
    "tpu.region"() ({
      %run_scoped3A_55 = tpu.sem_alloc : memref<!tpu.dma_semaphore, #tpu.memory_space<semaphore_mem>>
      %dma_start3A = arith.constant 0 : i32
      %dma_start3A_56 = arith.constant 0 : i32
      %dma_start3A_57 = tpu.memref_slice %arg3[%add3A, %dma_start3A, %dma_start3A_56] : memref<32x32x128xi32, #tpu.memory_space<hbm>> -> memref<1x32x128xi32, #tpu.memory_space<hbm>>
      %dma_start3A_58 = tpu.memref_squeeze %dma_start3A_57 : memref<1x32x128xi32, #tpu.memory_space<hbm>> -> memref<32x128xi32, #tpu.memory_space<hbm>>
      %dma_start3A_59 = arith.constant 0 : i32
      %dma_start3A_60 = arith.constant 0 : i32
      %dma_start3A_61 = tpu.memref_slice %arg3[%add3A, %dma_start3A_59, %dma_start3A_60] : memref<32x32x128xi32, #tpu.memory_space<hbm>> -> memref<1x32x128xi32, #tpu.memory_space<hbm>>
      %dma_start3A_62 = tpu.memref_squeeze %dma_start3A_61 : memref<1x32x128xi32, #tpu.memory_space<hbm>> -> memref<32x128xi32, #tpu.memory_space<hbm>>
      tpu.enqueue_dma source(%dma_start3A_62 : memref<32x128xi32, #tpu.memory_space<hbm>>) target(%arg8 : memref<32x128xi32, #tpu.memory_space<vmem>>) target_semaphore(%run_scoped3A_55 : memref<!tpu.dma_semaphore, #tpu.memory_space<semaphore_mem>>)
      %dma_wait3A = arith.constant 0 : i32
      %dma_wait3A_63 = arith.constant 0 : i32
      %dma_wait3A_64 = tpu.memref_slice %arg3[%add3A, %dma_wait3A, %dma_wait3A_63] : memref<32x32x128xi32, #tpu.memory_space<hbm>> -> memref<1x32x128xi32, #tpu.memory_space<hbm>>
      %dma_wait3A_65 = tpu.memref_squeeze %dma_wait3A_64 : memref<1x32x128xi32, #tpu.memory_space<hbm>> -> memref<32x128xi32, #tpu.memory_space<hbm>>
      %dma_wait3A_66 = arith.constant 0 : i32
      %dma_wait3A_67 = arith.constant 0 : i32
      %dma_wait3A_68 = tpu.memref_slice %arg3[%add3A, %dma_wait3A_66, %dma_wait3A_67] : memref<32x32x128xi32, #tpu.memory_space<hbm>> -> memref<1x32x128xi32, #tpu.memory_space<hbm>>
      %dma_wait3A_69 = tpu.memref_squeeze %dma_wait3A_68 : memref<1x32x128xi32, #tpu.memory_space<hbm>> -> memref<32x128xi32, #tpu.memory_space<hbm>>
      tpu.wait_dma2 semaphore(%run_scoped3A_55 : memref<!tpu.dma_semaphore, #tpu.memory_space<semaphore_mem>>) src(%dma_wait3A_69 : memref<32x128xi32, #tpu.memory_space<hbm>>) dst(%arg8 : memref<32x128xi32, #tpu.memory_space<vmem>>)
      tpu.yield
    }) : () -> ()
    "tpu.region"() ({
      %run_scoped3A_55 = tpu.sem_alloc : memref<!tpu.dma_semaphore, #tpu.memory_space<semaphore_mem>>
      tpu.enqueue_dma source(%arg5 : memref<16384xf32, #tpu.memory_space<hbm>>) target(%arg13 : memref<16384xf32, #tpu.memory_space<vmem>>) target_semaphore(%run_scoped3A_55 : memref<!tpu.dma_semaphore, #tpu.memory_space<semaphore_mem>>)
      tpu.wait_dma2 semaphore(%run_scoped3A_55 : memref<!tpu.dma_semaphore, #tpu.memory_space<semaphore_mem>>) src(%arg5 : memref<16384xf32, #tpu.memory_space<hbm>>) dst(%arg13 : memref<16384xf32, #tpu.memory_space<vmem>>)
      tpu.yield
    }) : () -> ()
    %mul3A_33 = arith.constant 256 : i32
    %mul3A_34 = arith.muli %add3A, %mul3A_33 : i32
    %add3A_35 = arith.constant 0 : i32
    %add3A_36 = arith.addi %add3A_35, %mul3A_34 : i32
    "tpu.region"() ({
      %run_scoped3A_55 = tpu.sem_alloc : memref<!tpu.dma_semaphore, #tpu.memory_space<semaphore_mem>>
      %dma_start3A = arith.constant 0 : i32
      %dma_start3A_56 = tpu.memref_slice %arg14[%dma_start3A] : memref<512xf32, #tpu.memory_space<vmem>> -> memref<256xf32, #tpu.memory_space<vmem>>
      %dma_start3A_57 = tpu.memref_slice %arg4[%add3A_36] : memref<16384xf32, #tpu.memory_space<hbm>> -> memref<256xf32, #tpu.memory_space<hbm>>
      %dma_start3A_58 = arith.constant 0 : i32
      %dma_start3A_59 = tpu.memref_slice %arg14[%dma_start3A_58] : memref<512xf32, #tpu.memory_space<vmem>> -> memref<256xf32, #tpu.memory_space<vmem>>
      %dma_start3A_60 = tpu.memref_slice %arg4[%add3A_36] : memref<16384xf32, #tpu.memory_space<hbm>> -> memref<256xf32, #tpu.memory_space<hbm>>
      tpu.enqueue_dma source(%dma_start3A_60 : memref<256xf32, #tpu.memory_space<hbm>>) target(%dma_start3A_59 : memref<256xf32, #tpu.memory_space<vmem>>) target_semaphore(%run_scoped3A_55 : memref<!tpu.dma_semaphore, #tpu.memory_space<semaphore_mem>>)
      %dma_wait3A = arith.constant 0 : i32
      %dma_wait3A_61 = tpu.memref_slice %arg14[%dma_wait3A] : memref<512xf32, #tpu.memory_space<vmem>> -> memref<256xf32, #tpu.memory_space<vmem>>
      %dma_wait3A_62 = tpu.memref_slice %arg4[%add3A_36] : memref<16384xf32, #tpu.memory_space<hbm>> -> memref<256xf32, #tpu.memory_space<hbm>>
      %dma_wait3A_63 = arith.constant 0 : i32
      %dma_wait3A_64 = tpu.memref_slice %arg14[%dma_wait3A_63] : memref<512xf32, #tpu.memory_space<vmem>> -> memref<256xf32, #tpu.memory_space<vmem>>
      %dma_wait3A_65 = tpu.memref_slice %arg4[%add3A_36] : memref<16384xf32, #tpu.memory_space<hbm>> -> memref<256xf32, #tpu.memory_space<hbm>>
      tpu.wait_dma2 semaphore(%run_scoped3A_55 : memref<!tpu.dma_semaphore, #tpu.memory_space<semaphore_mem>>) src(%dma_wait3A_65 : memref<256xf32, #tpu.memory_space<hbm>>) dst(%dma_wait3A_64 : memref<256xf32, #tpu.memory_space<vmem>>)
      tpu.yield
    }) : () -> ()
    %mul3A_37 = arith.constant 256 : i32
    %mul3A_38 = arith.muli %add3A, %mul3A_37 : i32
    %add3A_39 = arith.constant 8192 : i32
    %add3A_40 = arith.addi %add3A_39, %mul3A_38 : i32
    "tpu.region"() ({
      %run_scoped3A_55 = tpu.sem_alloc : memref<!tpu.dma_semaphore, #tpu.memory_space<semaphore_mem>>
      %dma_start3A = arith.constant 256 : i32
      %dma_start3A_56 = tpu.memref_slice %arg14[%dma_start3A] : memref<512xf32, #tpu.memory_space<vmem>> -> memref<256xf32, #tpu.memory_space<vmem>>
      %dma_start3A_57 = tpu.memref_slice %arg4[%add3A_40] : memref<16384xf32, #tpu.memory_space<hbm>> -> memref<256xf32, #tpu.memory_space<hbm>>
      %dma_start3A_58 = arith.constant 256 : i32
      %dma_start3A_59 = tpu.memref_slice %arg14[%dma_start3A_58] : memref<512xf32, #tpu.memory_space<vmem>> -> memref<256xf32, #tpu.memory_space<vmem>>
      %dma_start3A_60 = tpu.memref_slice %arg4[%add3A_40] : memref<16384xf32, #tpu.memory_space<hbm>> -> memref<256xf32, #tpu.memory_space<hbm>>
      tpu.enqueue_dma source(%dma_start3A_60 : memref<256xf32, #tpu.memory_space<hbm>>) target(%dma_start3A_59 : memref<256xf32, #tpu.memory_space<vmem>>) target_semaphore(%run_scoped3A_55 : memref<!tpu.dma_semaphore, #tpu.memory_space<semaphore_mem>>)
      %dma_wait3A = arith.constant 256 : i32
      %dma_wait3A_61 = tpu.memref_slice %arg14[%dma_wait3A] : memref<512xf32, #tpu.memory_space<vmem>> -> memref<256xf32, #tpu.memory_space<vmem>>
      %dma_wait3A_62 = tpu.memref_slice %arg4[%add3A_40] : memref<16384xf32, #tpu.memory_space<hbm>> -> memref<256xf32, #tpu.memory_space<hbm>>
      %dma_wait3A_63 = arith.constant 256 : i32
      %dma_wait3A_64 = tpu.memref_slice %arg14[%dma_wait3A_63] : memref<512xf32, #tpu.memory_space<vmem>> -> memref<256xf32, #tpu.memory_space<vmem>>
      %dma_wait3A_65 = tpu.memref_slice %arg4[%add3A_40] : memref<16384xf32, #tpu.memory_space<hbm>> -> memref<256xf32, #tpu.memory_space<hbm>>
      tpu.wait_dma2 semaphore(%run_scoped3A_55 : memref<!tpu.dma_semaphore, #tpu.memory_space<semaphore_mem>>) src(%dma_wait3A_65 : memref<256xf32, #tpu.memory_space<hbm>>) dst(%dma_wait3A_64 : memref<256xf32, #tpu.memory_space<vmem>>)
      tpu.yield
    }) : () -> ()
    %scan3A = arith.constant 0 : i32
    %scan3A_41 = arith.constant 0 : i32
    %scan3A_42 = arith.constant 256 : i32
    %scan3A_43 = arith.addi %scan3A_41, %scan3A_42 : i32
    %scan3A_44 = arith.constant 1 : i32
    scf.for %scan3A_55 = %scan3A_41 to %scan3A_43 step %scan3A_44  : i32 {
      %jit3A_56 = arith.constant 8 : i32
      %div3A_57 = arith.divsi %scan3A_55, %jit3A_56 : i32
      %sign3A_58 = arith.constant 0 : i32
      %sign3A_59 = arith.cmpi sgt, %scan3A_55, %sign3A_58 : i32
      %sign3A_60 = arith.extui %sign3A_59 : i1 to i32
      %sign3A_61 = arith.constant 0 : i32
      %sign3A_62 = arith.cmpi slt, %scan3A_55, %sign3A_61 : i32
      %sign3A_63 = arith.extui %sign3A_62 : i1 to i32
      %sign3A_64 = arith.subi %sign3A_60, %sign3A_63 : i32
      %sign3A_65 = arith.constant 0 : i32
      %sign3A_66 = arith.cmpi sgt, %jit3A_56, %sign3A_65 : i32
      %sign3A_67 = arith.extui %sign3A_66 : i1 to i32
      %sign3A_68 = arith.constant 0 : i32
      %sign3A_69 = arith.cmpi slt, %jit3A_56, %sign3A_68 : i32
      %sign3A_70 = arith.extui %sign3A_69 : i1 to i32
      %sign3A_71 = arith.subi %sign3A_67, %sign3A_70 : i32
      %ne3A_72 = arith.cmpi ne, %sign3A_64, %sign3A_71 : i32
      %rem3A_73 = arith.remsi %scan3A_55, %jit3A_56 : i32
      %ne3A_74 = arith.constant 0 : i32
      %ne3A_75 = arith.cmpi ne, %rem3A_73, %ne3A_74 : i32
      %and3A_76 = arith.andi %ne3A_72, %ne3A_75 : i1
      %sub3A_77 = arith.constant 1 : i32
      %sub3A_78 = arith.subi %div3A_57, %sub3A_77 : i32
      %select_n3A_79 = arith.select %and3A_76, %sub3A_78, %div3A_57 : i32
      %jit3A_80 = arith.constant 8 : i32
      %eq3A_81 = arith.constant 0 : i32
      %eq3A_82 = arith.cmpi eq, %jit3A_80, %eq3A_81 : i32
      %jit3A_83 = arith.constant 1 : i32
      %select_n3A_84 = arith.select %eq3A_82, %jit3A_83, %jit3A_80 : i32
      %rem3A_85 = arith.remsi %scan3A_55, %select_n3A_84 : i32
      %ne3A_86 = arith.constant 0 : i32
      %ne3A_87 = arith.cmpi ne, %rem3A_85, %ne3A_86 : i32
      %lt3A_88 = arith.constant 0 : i32
      %lt3A_89 = arith.cmpi slt, %rem3A_85, %lt3A_88 : i32
      %lt3A_90 = arith.constant 0 : i32
      %lt3A_91 = arith.cmpi slt, %select_n3A_84, %lt3A_90 : i32
      %ne3A_92 = arith.xori %lt3A_89, %lt3A_91 : i1
      %and3A_93 = arith.andi %ne3A_92, %ne3A_87 : i1
      %add3A_94 = arith.addi %rem3A_85, %select_n3A_84 : i32
      %select_n3A_95 = arith.select %and3A_93, %add3A_94, %rem3A_85 : i32
      %mul3A_96 = arith.constant 16 : i32
      %mul3A_97 = arith.muli %select_n3A_95, %mul3A_96 : i32
      %get3A = arith.index_cast %select_n3A_79 : i32 to index
      %get3A_98 = arith.index_cast %mul3A_97 : i32 to index
      %get3A_99 = tpu.vector_load %arg8[%get3A, %get3A_98] {strides = array<i32>} : memref<32x128xi32, #tpu.memory_space<vmem>>, vector<16xi32>,
      %add3A_100 = arith.constant 0 : i32
      %add3A_101 = vector.broadcast %add3A_100 : i32 to vector<16xi32>
      %add3A_102 = arith.addi %get3A_99, %add3A_101 : vector<16xi32>
      %gather3A = tpu.vector_load_idx %arg13[%add3A_102] : memref<16384xf32, #tpu.memory_space<vmem>>[vector<16xi32>], vector<16xf32>,
      %broadcast_in_dim3A = arith.constant 0 : i32
      %broadcast_in_dim3A_103 = vector.broadcast %broadcast_in_dim3A : i32 to vector<16xi32>
      %add3A_104 = vector.broadcast %scan3A_55 : i32 to vector<16xi32>
      %add3A_105 = arith.addi %broadcast_in_dim3A_103, %add3A_104 : vector<16xi32>
      %gather3A_106 = tpu.vector_load_idx %arg14[%add3A_105] : memref<512xf32, #tpu.memory_space<vmem>>[vector<16xi32>], vector<16xf32>,
      %sub3A_107 = arith.subf %gather3A_106, %gather3A : vector<16xf32>
      %swap3A = arith.constant 0 : i32
      %swap3A_108 = arith.index_cast %swap3A : i32 to index
      %swap3A_109 = arith.index_cast %scan3A_55 : i32 to index
      %swap3A_110 = arith.constant 0 : index
      %swap3A_111 = tpu.vector_load %arg15[%swap3A_108, %swap3A_109, %swap3A_110] {strides = array<i32>} : memref<2x256x16xf32, #tpu.memory_space<vmem>>, vector<16xf32>,
      tpu.vector_store %arg15[%swap3A_108, %swap3A_109, %swap3A_110], %sub3A_107 {strides = array<i32>} : memref<2x256x16xf32, #tpu.memory_space<vmem>>, vector<16xf32>,
      %add3A_112 = arith.constant 8192 : i32
      %add3A_113 = vector.broadcast %add3A_112 : i32 to vector<16xi32>
      %add3A_114 = arith.addi %get3A_99, %add3A_113 : vector<16xi32>
      %gather3A_115 = tpu.vector_load_idx %arg13[%add3A_114] : memref<16384xf32, #tpu.memory_space<vmem>>[vector<16xi32>], vector<16xf32>,
      %broadcast_in_dim3A_116 = arith.constant 256 : i32
      %broadcast_in_dim3A_117 = vector.broadcast %broadcast_in_dim3A_116 : i32 to vector<16xi32>
      %add3A_118 = vector.broadcast %scan3A_55 : i32 to vector<16xi32>
      %add3A_119 = arith.addi %broadcast_in_dim3A_117, %add3A_118 : vector<16xi32>
      %gather3A_120 = tpu.vector_load_idx %arg14[%add3A_119] : memref<512xf32, #tpu.memory_space<vmem>>[vector<16xi32>], vector<16xf32>,
      %sub3A_121 = arith.subf %gather3A_120, %gather3A_115 : vector<16xf32>
      %swap3A_122 = arith.constant 1 : i32
      %swap3A_123 = arith.index_cast %swap3A_122 : i32 to index
      %swap3A_124 = arith.index_cast %scan3A_55 : i32 to index
      %swap3A_125 = arith.constant 0 : index
      %swap3A_126 = tpu.vector_load %arg15[%swap3A_123, %swap3A_124, %swap3A_125] {strides = array<i32>} : memref<2x256x16xf32, #tpu.memory_space<vmem>>, vector<16xf32>,
      tpu.vector_store %arg15[%swap3A_123, %swap3A_124, %swap3A_125], %sub3A_121 {strides = array<i32>} : memref<2x256x16xf32, #tpu.memory_space<vmem>>, vector<16xf32>,
    }
    %scan3A_45 = arith.constant 256 : i32
    %run_scoped3A = arith.constant 0 : i32
    %run_scoped3A_46 = arith.constant 0 : i32
    "tpu.region"() ({
      %run_scoped3A_55 = tpu.sem_alloc : memref<!tpu.dma_semaphore, #tpu.memory_space<semaphore_mem>>
      %dma_start3A = arith.constant 0 : i32
      %dma_start3A_56 = arith.constant 0 : i32
      %dma_start3A_57 = tpu.memref_slice %arg15[%run_scoped3A, %dma_start3A, %dma_start3A_56] : memref<2x256x16xf32, #tpu.memory_space<vmem>> -> memref<1x256x16xf32, #tpu.memory_space<vmem>>
      %dma_start3A_58 = tpu.memref_squeeze %dma_start3A_57 : memref<1x256x16xf32, #tpu.memory_space<vmem>> -> memref<256x16xf32, #tpu.memory_space<vmem>>
      %dma_start3A_59 = arith.constant 0 : i32
      %dma_start3A_60 = tpu.memref_slice %arg7[%select_n3A, %run_scoped3A_46, %mul3A_32, %dma_start3A_59] : memref<4x2x2048x16xf32, #tpu.memory_space<hbm>> -> memref<1x1x256x16xf32, #tpu.memory_space<hbm>>
      %dma_start3A_61 = tpu.memref_squeeze %dma_start3A_60 : memref<1x1x256x16xf32, #tpu.memory_space<hbm>> -> memref<256x16xf32, #tpu.memory_space<hbm>>
      %dma_start3A_62 = arith.constant 0 : i32
      %dma_start3A_63 = tpu.memref_slice %arg7[%select_n3A, %run_scoped3A_46, %mul3A_32, %dma_start3A_62] : memref<4x2x2048x16xf32, #tpu.memory_space<hbm>> -> memref<1x1x256x16xf32, #tpu.memory_space<hbm>>
      %dma_start3A_64 = tpu.memref_squeeze %dma_start3A_63 : memref<1x1x256x16xf32, #tpu.memory_space<hbm>> -> memref<256x16xf32, #tpu.memory_space<hbm>>
      %dma_start3A_65 = arith.constant 0 : i32
      %dma_start3A_66 = arith.constant 0 : i32
      %dma_start3A_67 = tpu.memref_slice %arg15[%run_scoped3A, %dma_start3A_65, %dma_start3A_66] : memref<2x256x16xf32, #tpu.memory_space<vmem>> -> memref<1x256x16xf32, #tpu.memory_space<vmem>>
      %dma_start3A_68 = tpu.memref_squeeze %dma_start3A_67 : memref<1x256x16xf32, #tpu.memory_space<vmem>> -> memref<256x16xf32, #tpu.memory_space<vmem>>
      tpu.enqueue_dma source(%dma_start3A_68 : memref<256x16xf32, #tpu.memory_space<vmem>>) target(%dma_start3A_64 : memref<256x16xf32, #tpu.memory_space<hbm>>) target_semaphore(%run_scoped3A_55 : memref<!tpu.dma_semaphore, #tpu.memory_space<semaphore_mem>>)
      %dma_wait3A = arith.constant 0 : i32
      %dma_wait3A_69 = arith.constant 0 : i32
      %dma_wait3A_70 = tpu.memref_slice %arg15[%run_scoped3A, %dma_wait3A, %dma_wait3A_69] : memref<2x256x16xf32, #tpu.memory_space<vmem>> -> memref<1x256x16xf32, #tpu.memory_space<vmem>>
      %dma_wait3A_71 = tpu.memref_squeeze %dma_wait3A_70 : memref<1x256x16xf32, #tpu.memory_space<vmem>> -> memref<256x16xf32, #tpu.memory_space<vmem>>
      %dma_wait3A_72 = arith.constant 0 : i32
      %dma_wait3A_73 = tpu.memref_slice %arg7[%select_n3A, %run_scoped3A_46, %mul3A_32, %dma_wait3A_72] : memref<4x2x2048x16xf32, #tpu.memory_space<hbm>> -> memref<1x1x256x16xf32, #tpu.memory_space<hbm>>
      %dma_wait3A_74 = tpu.memref_squeeze %dma_wait3A_73 : memref<1x1x256x16xf32, #tpu.memory_space<hbm>> -> memref<256x16xf32, #tpu.memory_space<hbm>>
      %dma_wait3A_75 = arith.constant 0 : i32
      %dma_wait3A_76 = tpu.memref_slice %arg7[%select_n3A, %run_scoped3A_46, %mul3A_32, %dma_wait3A_75] : memref<4x2x2048x16xf32, #tpu.memory_space<hbm>> -> memref<1x1x256x16xf32, #tpu.memory_space<hbm>>
      %dma_wait3A_77 = tpu.memref_squeeze %dma_wait3A_76 : memref<1x1x256x16xf32, #tpu.memory_space<hbm>> -> memref<256x16xf32, #tpu.memory_space<hbm>>
      %dma_wait3A_78 = arith.constant 0 : i32
      %dma_wait3A_79 = arith.constant 0 : i32
      %dma_wait3A_80 = tpu.memref_slice %arg15[%run_scoped3A, %dma_wait3A_78, %dma_wait3A_79] : memref<2x256x16xf32, #tpu.memory_space<vmem>> -> memref<1x256x16xf32, #tpu.memory_space<vmem>>
      %dma_wait3A_81 = tpu.memref_squeeze %dma_wait3A_80 : memref<1x256x16xf32, #tpu.memory_space<vmem>> -> memref<256x16xf32, #tpu.memory_space<vmem>>
      tpu.wait_dma2 semaphore(%run_scoped3A_55 : memref<!tpu.dma_semaphore, #tpu.memory_space<semaphore_mem>>) src(%dma_wait3A_81 : memref<256x16xf32, #tpu.memory_space<vmem>>) dst(%dma_wait3A_77 : memref<256x16xf32, #tpu.memory_space<hbm>>)
      tpu.yield
    }) : () -> ()
    %run_scoped3A_47 = arith.constant 1 : i32
    %run_scoped3A_48 = arith.constant 1 : i32
    "tpu.region"() ({
      %run_scoped3A_55 = tpu.sem_alloc : memref<!tpu.dma_semaphore, #tpu.memory_space<semaphore_mem>>
      %dma_start3A = arith.constant 0 : i32
      %dma_start3A_56 = arith.constant 0 : i32
      %dma_start3A_57 = tpu.memref_slice %arg15[%run_scoped3A_47, %dma_start3A, %dma_start3A_56] : memref<2x256x16xf32, #tpu.memory_space<vmem>> -> memref<1x256x16xf32, #tpu.memory_space<vmem>>
      %dma_start3A_58 = tpu.memref_squeeze %dma_start3A_57 : memref<1x256x16xf32, #tpu.memory_space<vmem>> -> memref<256x16xf32, #tpu.memory_space<vmem>>
      %dma_start3A_59 = arith.constant 0 : i32
      %dma_start3A_60 = tpu.memref_slice %arg7[%select_n3A, %run_scoped3A_48, %mul3A_32, %dma_start3A_59] : memref<4x2x2048x16xf32, #tpu.memory_space<hbm>> -> memref<1x1x256x16xf32, #tpu.memory_space<hbm>>
      %dma_start3A_61 = tpu.memref_squeeze %dma_start3A_60 : memref<1x1x256x16xf32, #tpu.memory_space<hbm>> -> memref<256x16xf32, #tpu.memory_space<hbm>>
      %dma_start3A_62 = arith.constant 0 : i32
      %dma_start3A_63 = tpu.memref_slice %arg7[%select_n3A, %run_scoped3A_48, %mul3A_32, %dma_start3A_62] : memref<4x2x2048x16xf32, #tpu.memory_space<hbm>> -> memref<1x1x256x16xf32, #tpu.memory_space<hbm>>
      %dma_start3A_64 = tpu.memref_squeeze %dma_start3A_63 : memref<1x1x256x16xf32, #tpu.memory_space<hbm>> -> memref<256x16xf32, #tpu.memory_space<hbm>>
      %dma_start3A_65 = arith.constant 0 : i32
      %dma_start3A_66 = arith.constant 0 : i32
      %dma_start3A_67 = tpu.memref_slice %arg15[%run_scoped3A_47, %dma_start3A_65, %dma_start3A_66] : memref<2x256x16xf32, #tpu.memory_space<vmem>> -> memref<1x256x16xf32, #tpu.memory_space<vmem>>
      %dma_start3A_68 = tpu.memref_squeeze %dma_start3A_67 : memref<1x256x16xf32, #tpu.memory_space<vmem>> -> memref<256x16xf32, #tpu.memory_space<vmem>>
      tpu.enqueue_dma source(%dma_start3A_68 : memref<256x16xf32, #tpu.memory_space<vmem>>) target(%dma_start3A_64 : memref<256x16xf32, #tpu.memory_space<hbm>>) target_semaphore(%run_scoped3A_55 : memref<!tpu.dma_semaphore, #tpu.memory_space<semaphore_mem>>)
      %dma_wait3A = arith.constant 0 : i32
      %dma_wait3A_69 = arith.constant 0 : i32
      %dma_wait3A_70 = tpu.memref_slice %arg15[%run_scoped3A_47, %dma_wait3A, %dma_wait3A_69] : memref<2x256x16xf32, #tpu.memory_space<vmem>> -> memref<1x256x16xf32, #tpu.memory_space<vmem>>
      %dma_wait3A_71 = tpu.memref_squeeze %dma_wait3A_70 : memref<1x256x16xf32, #tpu.memory_space<vmem>> -> memref<256x16xf32, #tpu.memory_space<vmem>>
      %dma_wait3A_72 = arith.constant 0 : i32
      %dma_wait3A_73 = tpu.memref_slice %arg7[%select_n3A, %run_scoped3A_48, %mul3A_32, %dma_wait3A_72] : memref<4x2x2048x16xf32, #tpu.memory_space<hbm>> -> memref<1x1x256x16xf32, #tpu.memory_space<hbm>>
      %dma_wait3A_74 = tpu.memref_squeeze %dma_wait3A_73 : memref<1x1x256x16xf32, #tpu.memory_space<hbm>> -> memref<256x16xf32, #tpu.memory_space<hbm>>
      %dma_wait3A_75 = arith.constant 0 : i32
      %dma_wait3A_76 = tpu.memref_slice %arg7[%select_n3A, %run_scoped3A_48, %mul3A_32, %dma_wait3A_75] : memref<4x2x2048x16xf32, #tpu.memory_space<hbm>> -> memref<1x1x256x16xf32, #tpu.memory_space<hbm>>
      %dma_wait3A_77 = tpu.memref_squeeze %dma_wait3A_76 : memref<1x1x256x16xf32, #tpu.memory_space<hbm>> -> memref<256x16xf32, #tpu.memory_space<hbm>>
      %dma_wait3A_78 = arith.constant 0 : i32
      %dma_wait3A_79 = arith.constant 0 : i32
      %dma_wait3A_80 = tpu.memref_slice %arg15[%run_scoped3A_47, %dma_wait3A_78, %dma_wait3A_79] : memref<2x256x16xf32, #tpu.memory_space<vmem>> -> memref<1x256x16xf32, #tpu.memory_space<vmem>>
      %dma_wait3A_81 = tpu.memref_squeeze %dma_wait3A_80 : memref<1x256x16xf32, #tpu.memory_space<vmem>> -> memref<256x16xf32, #tpu.memory_space<vmem>>
      tpu.wait_dma2 semaphore(%run_scoped3A_55 : memref<!tpu.dma_semaphore, #tpu.memory_space<semaphore_mem>>) src(%dma_wait3A_81 : memref<256x16xf32, #tpu.memory_space<vmem>>) dst(%dma_wait3A_77 : memref<256x16xf32, #tpu.memory_space<hbm>>)
      tpu.yield
    }) : () -> ()
    %scan3A_49 = arith.constant 0 : i32
    %scan3A_50 = arith.constant 0 : i32
    %scan3A_51 = arith.constant 8 : i32
    %scan3A_52 = arith.addi %scan3A_50, %scan3A_51 : i32
    %scan3A_53 = arith.constant 1 : i32
    scf.for %scan3A_55 = %scan3A_50 to %scan3A_52 step %scan3A_53  : i32 {
      %mul3A_56 = arith.constant 4 : i32
      %mul3A_57 = arith.muli %mul3A_56, %scan3A_55 : i32
      %add3A_58 = arith.constant 0 : i32
      %add3A_59 = arith.addi %mul3A_57, %add3A_58 : i32
      %dma_start3A = arith.constant 0 : i32
      %dma_start3A_60 = tpu.memref_slice %arg8[%add3A_59, %dma_start3A] : memref<32x128xi32, #tpu.memory_space<vmem>> -> memref<1x128xi32, #tpu.memory_space<vmem>>
      %dma_start3A_61 = tpu.memref_squeeze %dma_start3A_60 : memref<1x128xi32, #tpu.memory_space<vmem>> -> memref<128xi32, #tpu.memory_space<vmem>>
      %dma_start3A_62 = arith.constant 0 : i32
      %dma_start3A_63 = arith.constant 0 : i32
      %dma_start3A_64 = tpu.memref_slice %arg2[%dma_start3A_62, %dma_start3A_63] : memref<8192x128xf32, #tpu.memory_space<hbm>> -> memref<8192x128xf32, #tpu.memory_space<hbm>>
      tpu.enqueue_indirect_dma source(%dma_start3A_64 : memref<8192x128xf32, #tpu.memory_space<hbm>>) target(%arg9 : memref<128x128xf32, #tpu.memory_space<vmem>>) offsets(%dma_start3A_61 : memref<128xi32, #tpu.memory_space<vmem>>) semaphore(%arg16 : memref<!tpu.dma_semaphore, #tpu.memory_space<semaphore_mem>>)
      %mul3A_65 = arith.constant 4 : i32
      %mul3A_66 = arith.muli %mul3A_65, %scan3A_55 : i32
      %add3A_67 = arith.constant 1 : i32
      %add3A_68 = arith.addi %mul3A_66, %add3A_67 : i32
      %dma_start3A_69 = arith.constant 0 : i32
      %dma_start3A_70 = tpu.memref_slice %arg8[%add3A_68, %dma_start3A_69] : memref<32x128xi32, #tpu.memory_space<vmem>> -> memref<1x128xi32, #tpu.memory_space<vmem>>
      %dma_start3A_71 = tpu.memref_squeeze %dma_start3A_70 : memref<1x128xi32, #tpu.memory_space<vmem>> -> memref<128xi32, #tpu.memory_space<vmem>>
      %dma_start3A_72 = arith.constant 0 : i32
      %dma_start3A_73 = arith.constant 0 : i32
      %dma_start3A_74 = tpu.memref_slice %arg2[%dma_start3A_72, %dma_start3A_73] : memref<8192x128xf32, #tpu.memory_space<hbm>> -> memref<8192x128xf32, #tpu.memory_space<hbm>>
      tpu.enqueue_indirect_dma source(%dma_start3A_74 : memref<8192x128xf32, #tpu.memory_space<hbm>>) target(%arg10 : memref<128x128xf32, #tpu.memory_space<vmem>>) offsets(%dma_start3A_71 : memref<128xi32, #tpu.memory_space<vmem>>) semaphore(%arg17 : memref<!tpu.dma_semaphore, #tpu.memory_space<semaphore_mem>>)
      %mul3A_75 = arith.constant 4 : i32
      %mul3A_76 = arith.muli %mul3A_75, %scan3A_55 : i32
      %add3A_77 = arith.constant 2 : i32
      %add3A_78 = arith.addi %mul3A_76, %add3A_77 : i32
      %dma_start3A_79 = arith.constant 0 : i32
      %dma_start3A_80 = tpu.memref_slice %arg8[%add3A_78, %dma_start3A_79] : memref<32x128xi32, #tpu.memory_space<vmem>> -> memref<1x128xi32, #tpu.memory_space<vmem>>
      %dma_start3A_81 = tpu.memref_squeeze %dma_start3A_80 : memref<1x128xi32, #tpu.memory_space<vmem>> -> memref<128xi32, #tpu.memory_space<vmem>>
      %dma_start3A_82 = arith.constant 0 : i32
      %dma_start3A_83 = arith.constant 0 : i32
      %dma_start3A_84 = tpu.memref_slice %arg2[%dma_start3A_82, %dma_start3A_83] : memref<8192x128xf32, #tpu.memory_space<hbm>> -> memref<8192x128xf32, #tpu.memory_space<hbm>>
      tpu.enqueue_indirect_dma source(%dma_start3A_84 : memref<8192x128xf32, #tpu.memory_space<hbm>>) target(%arg11 : memref<128x128xf32, #tpu.memory_space<vmem>>) offsets(%dma_start3A_81 : memref<128xi32, #tpu.memory_space<vmem>>) semaphore(%arg18 : memref<!tpu.dma_semaphore, #tpu.memory_space<semaphore_mem>>)
      %mul3A_85 = arith.constant 4 : i32
      %mul3A_86 = arith.muli %mul3A_85, %scan3A_55 : i32
      %add3A_87 = arith.constant 3 : i32
      %add3A_88 = arith.addi %mul3A_86, %add3A_87 : i32
      %dma_start3A_89 = arith.constant 0 : i32
      %dma_start3A_90 = tpu.memref_slice %arg8[%add3A_88, %dma_start3A_89] : memref<32x128xi32, #tpu.memory_space<vmem>> -> memref<1x128xi32, #tpu.memory_space<vmem>>
      %dma_start3A_91 = tpu.memref_squeeze %dma_start3A_90 : memref<1x128xi32, #tpu.memory_space<vmem>> -> memref<128xi32, #tpu.memory_space<vmem>>
      %dma_start3A_92 = arith.constant 0 : i32
      %dma_start3A_93 = arith.constant 0 : i32
      %dma_start3A_94 = tpu.memref_slice %arg2[%dma_start3A_92, %dma_start3A_93] : memref<8192x128xf32, #tpu.memory_space<hbm>> -> memref<8192x128xf32, #tpu.memory_space<hbm>>
      tpu.enqueue_indirect_dma source(%dma_start3A_94 : memref<8192x128xf32, #tpu.memory_space<hbm>>) target(%arg12 : memref<128x128xf32, #tpu.memory_space<vmem>>) offsets(%dma_start3A_91 : memref<128xi32, #tpu.memory_space<vmem>>) semaphore(%arg19 : memref<!tpu.dma_semaphore, #tpu.memory_space<semaphore_mem>>)
      %dma_wait3A = arith.constant 0 : i32
      %dma_wait3A_95 = tpu.memref_slice %arg8[%add3A_59, %dma_wait3A] : memref<32x128xi32, #tpu.memory_space<vmem>> -> memref<1x128xi32, #tpu.memory_space<vmem>>
      %dma_wait3A_96 = tpu.memref_squeeze %dma_wait3A_95 : memref<1x128xi32, #tpu.memory_space<vmem>> -> memref<128xi32, #tpu.memory_space<vmem>>
      %dma_wait3A_97 = arith.constant 0 : i32
      %dma_wait3A_98 = arith.constant 0 : i32
      %dma_wait3A_99 = tpu.memref_slice %arg2[%dma_wait3A_97, %dma_wait3A_98] : memref<8192x128xf32, #tpu.memory_space<hbm>> -> memref<8192x128xf32, #tpu.memory_space<hbm>>
      tpu.wait_indirect_dma semaphore(%arg16 : memref<!tpu.dma_semaphore, #tpu.memory_space<semaphore_mem>>) src(%dma_wait3A_99 : memref<8192x128xf32, #tpu.memory_space<hbm>>) dst(%arg9 : memref<128x128xf32, #tpu.memory_space<vmem>>)
      %mul3A_100 = arith.constant 4096 : i32
      %mul3A_101 = arith.muli %add3A, %mul3A_100 : i32
      %mul3A_102 = arith.constant 4 : i32
      %mul3A_103 = arith.muli %mul3A_102, %scan3A_55 : i32
      %add3A_104 = arith.constant 0 : i32
      %add3A_105 = arith.addi %mul3A_103, %add3A_104 : i32
      %mul3A_106 = arith.constant 128 : i32
      %mul3A_107 = arith.muli %add3A_105, %mul3A_106 : i32
      %add3A_108 = arith.addi %mul3A_101, %mul3A_107 : i32
      "tpu.region"() ({
        %run_scoped3A_154 = tpu.sem_alloc : memref<!tpu.dma_semaphore, #tpu.memory_space<semaphore_mem>>
        %dma_start3A_155 = arith.constant 0 : i32
        %dma_start3A_156 = tpu.memref_slice %arg6[%add3A_108, %dma_start3A_155] : memref<131072x128xf32, #tpu.memory_space<hbm>> -> memref<128x128xf32, #tpu.memory_space<hbm>>
        %dma_start3A_157 = arith.constant 0 : i32
        %dma_start3A_158 = tpu.memref_slice %arg6[%add3A_108, %dma_start3A_157] : memref<131072x128xf32, #tpu.memory_space<hbm>> -> memref<128x128xf32, #tpu.memory_space<hbm>>
        tpu.enqueue_dma source(%arg9 : memref<128x128xf32, #tpu.memory_space<vmem>>) target(%dma_start3A_158 : memref<128x128xf32, #tpu.memory_space<hbm>>) target_semaphore(%run_scoped3A_154 : memref<!tpu.dma_semaphore, #tpu.memory_space<semaphore_mem>>)
        %dma_wait3A_159 = arith.constant 0 : i32
        %dma_wait3A_160 = tpu.memref_slice %arg6[%add3A_108, %dma_wait3A_159] : memref<131072x128xf32, #tpu.memory_space<hbm>> -> memref<128x128xf32, #tpu.memory_space<hbm>>
        %dma_wait3A_161 = arith.constant 0 : i32
        %dma_wait3A_162 = tpu.memref_slice %arg6[%add3A_108, %dma_wait3A_161] : memref<131072x128xf32, #tpu.memory_space<hbm>> -> memref<128x128xf32, #tpu.memory_space<hbm>>
        tpu.wait_dma2 semaphore(%run_scoped3A_154 : memref<!tpu.dma_semaphore, #tpu.memory_space<semaphore_mem>>) src(%arg9 : memref<128x128xf32, #tpu.memory_space<vmem>>) dst(%dma_wait3A_162 : memref<128x128xf32, #tpu.memory_space<hbm>>)
        tpu.yield
      }) : () -> ()
      %dma_wait3A_109 = arith.constant 0 : i32
      %dma_wait3A_110 = tpu.memref_slice %arg8[%add3A_68, %dma_wait3A_109] : memref<32x128xi32, #tpu.memory_space<vmem>> -> memref<1x128xi32, #tpu.memory_space<vmem>>
      %dma_wait3A_111 = tpu.memref_squeeze %dma_wait3A_110 : memref<1x128xi32, #tpu.memory_space<vmem>> -> memref<128xi32, #tpu.memory_space<vmem>>
      %dma_wait3A_112 = arith.constant 0 : i32
      %dma_wait3A_113 = arith.constant 0 : i32
      %dma_wait3A_114 = tpu.memref_slice %arg2[%dma_wait3A_112, %dma_wait3A_113] : memref<8192x128xf32, #tpu.memory_space<hbm>> -> memref<8192x128xf32, #tpu.memory_space<hbm>>
      tpu.wait_indirect_dma semaphore(%arg17 : memref<!tpu.dma_semaphore, #tpu.memory_space<semaphore_mem>>) src(%dma_wait3A_114 : memref<8192x128xf32, #tpu.memory_space<hbm>>) dst(%arg10 : memref<128x128xf32, #tpu.memory_space<vmem>>)
      %mul3A_115 = arith.constant 4096 : i32
      %mul3A_116 = arith.muli %add3A, %mul3A_115 : i32
      %mul3A_117 = arith.constant 4 : i32
      %mul3A_118 = arith.muli %mul3A_117, %scan3A_55 : i32
      %add3A_119 = arith.constant 1 : i32
      %add3A_120 = arith.addi %mul3A_118, %add3A_119 : i32
      %mul3A_121 = arith.constant 128 : i32
      %mul3A_122 = arith.muli %add3A_120, %mul3A_121 : i32
      %add3A_123 = arith.addi %mul3A_116, %mul3A_122 : i32
      "tpu.region"() ({
        %run_scoped3A_154 = tpu.sem_alloc : memref<!tpu.dma_semaphore, #tpu.memory_space<semaphore_mem>>
        %dma_start3A_155 = arith.constant 0 : i32
        %dma_start3A_156 = tpu.memref_slice %arg6[%add3A_123, %dma_start3A_155] : memref<131072x128xf32, #tpu.memory_space<hbm>> -> memref<128x128xf32, #tpu.memory_space<hbm>>
        %dma_start3A_157 = arith.constant 0 : i32
        %dma_start3A_158 = tpu.memref_slice %arg6[%add3A_123, %dma_start3A_157] : memref<131072x128xf32, #tpu.memory_space<hbm>> -> memref<128x128xf32, #tpu.memory_space<hbm>>
        tpu.enqueue_dma source(%arg10 : memref<128x128xf32, #tpu.memory_space<vmem>>) target(%dma_start3A_158 : memref<128x128xf32, #tpu.memory_space<hbm>>) target_semaphore(%run_scoped3A_154 : memref<!tpu.dma_semaphore, #tpu.memory_space<semaphore_mem>>)
        %dma_wait3A_159 = arith.constant 0 : i32
        %dma_wait3A_160 = tpu.memref_slice %arg6[%add3A_123, %dma_wait3A_159] : memref<131072x128xf32, #tpu.memory_space<hbm>> -> memref<128x128xf32, #tpu.memory_space<hbm>>
        %dma_wait3A_161 = arith.constant 0 : i32
        %dma_wait3A_162 = tpu.memref_slice %arg6[%add3A_123, %dma_wait3A_161] : memref<131072x128xf32, #tpu.memory_space<hbm>> -> memref<128x128xf32, #tpu.memory_space<hbm>>
        tpu.wait_dma2 semaphore(%run_scoped3A_154 : memref<!tpu.dma_semaphore, #tpu.memory_space<semaphore_mem>>) src(%arg10 : memref<128x128xf32, #tpu.memory_space<vmem>>) dst(%dma_wait3A_162 : memref<128x128xf32, #tpu.memory_space<hbm>>)
        tpu.yield
      }) : () -> ()
      %dma_wait3A_124 = arith.constant 0 : i32
      %dma_wait3A_125 = tpu.memref_slice %arg8[%add3A_78, %dma_wait3A_124] : memref<32x128xi32, #tpu.memory_space<vmem>> -> memref<1x128xi32, #tpu.memory_space<vmem>>
      %dma_wait3A_126 = tpu.memref_squeeze %dma_wait3A_125 : memref<1x128xi32, #tpu.memory_space<vmem>> -> memref<128xi32, #tpu.memory_space<vmem>>
      %dma_wait3A_127 = arith.constant 0 : i32
      %dma_wait3A_128 = arith.constant 0 : i32
      %dma_wait3A_129 = tpu.memref_slice %arg2[%dma_wait3A_127, %dma_wait3A_128] : memref<8192x128xf32, #tpu.memory_space<hbm>> -> memref<8192x128xf32, #tpu.memory_space<hbm>>
      tpu.wait_indirect_dma semaphore(%arg18 : memref<!tpu.dma_semaphore, #tpu.memory_space<semaphore_mem>>) src(%dma_wait3A_129 : memref<8192x128xf32, #tpu.memory_space<hbm>>) dst(%arg11 : memref<128x128xf32, #tpu.memory_space<vmem>>)
      %mul3A_130 = arith.constant 4096 : i32
      %mul3A_131 = arith.muli %add3A, %mul3A_130 : i32
      %mul3A_132 = arith.constant 4 : i32
      %mul3A_133 = arith.muli %mul3A_132, %scan3A_55 : i32
      %add3A_134 = arith.constant 2 : i32
      %add3A_135 = arith.addi %mul3A_133, %add3A_134 : i32
      %mul3A_136 = arith.constant 128 : i32
      %mul3A_137 = arith.muli %add3A_135, %mul3A_136 : i32
      %add3A_138 = arith.addi %mul3A_131, %mul3A_137 : i32
      "tpu.region"() ({
        %run_scoped3A_154 = tpu.sem_alloc : memref<!tpu.dma_semaphore, #tpu.memory_space<semaphore_mem>>
        %dma_start3A_155 = arith.constant 0 : i32
        %dma_start3A_156 = tpu.memref_slice %arg6[%add3A_138, %dma_start3A_155] : memref<131072x128xf32, #tpu.memory_space<hbm>> -> memref<128x128xf32, #tpu.memory_space<hbm>>
        %dma_start3A_157 = arith.constant 0 : i32
        %dma_start3A_158 = tpu.memref_slice %arg6[%add3A_138, %dma_start3A_157] : memref<131072x128xf32, #tpu.memory_space<hbm>> -> memref<128x128xf32, #tpu.memory_space<hbm>>
        tpu.enqueue_dma source(%arg11 : memref<128x128xf32, #tpu.memory_space<vmem>>) target(%dma_start3A_158 : memref<128x128xf32, #tpu.memory_space<hbm>>) target_semaphore(%run_scoped3A_154 : memref<!tpu.dma_semaphore, #tpu.memory_space<semaphore_mem>>)
        %dma_wait3A_159 = arith.constant 0 : i32
        %dma_wait3A_160 = tpu.memref_slice %arg6[%add3A_138, %dma_wait3A_159] : memref<131072x128xf32, #tpu.memory_space<hbm>> -> memref<128x128xf32, #tpu.memory_space<hbm>>
        %dma_wait3A_161 = arith.constant 0 : i32
        %dma_wait3A_162 = tpu.memref_slice %arg6[%add3A_138, %dma_wait3A_161] : memref<131072x128xf32, #tpu.memory_space<hbm>> -> memref<128x128xf32, #tpu.memory_space<hbm>>
        tpu.wait_dma2 semaphore(%run_scoped3A_154 : memref<!tpu.dma_semaphore, #tpu.memory_space<semaphore_mem>>) src(%arg11 : memref<128x128xf32, #tpu.memory_space<vmem>>) dst(%dma_wait3A_162 : memref<128x128xf32, #tpu.memory_space<hbm>>)
        tpu.yield
      }) : () -> ()
      %dma_wait3A_139 = arith.constant 0 : i32
      %dma_wait3A_140 = tpu.memref_slice %arg8[%add3A_88, %dma_wait3A_139] : memref<32x128xi32, #tpu.memory_space<vmem>> -> memref<1x128xi32, #tpu.memory_space<vmem>>
      %dma_wait3A_141 = tpu.memref_squeeze %dma_wait3A_140 : memref<1x128xi32, #tpu.memory_space<vmem>> -> memref<128xi32, #tpu.memory_space<vmem>>
      %dma_wait3A_142 = arith.constant 0 : i32
      %dma_wait3A_143 = arith.constant 0 : i32
      %dma_wait3A_144 = tpu.memref_slice %arg2[%dma_wait3A_142, %dma_wait3A_143] : memref<8192x128xf32, #tpu.memory_space<hbm>> -> memref<8192x128xf32, #tpu.memory_space<hbm>>
      tpu.wait_indirect_dma semaphore(%arg19 : memref<!tpu.dma_semaphore, #tpu.memory_space<semaphore_mem>>) src(%dma_wait3A_144 : memref<8192x128xf32, #tpu.memory_space<hbm>>) dst(%arg12 : memref<128x128xf32, #tpu.memory_space<vmem>>)
      %mul3A_145 = arith.constant 4096 : i32
      %mul3A_146 = arith.muli %add3A, %mul3A_145 : i32
      %mul3A_147 = arith.constant 4 : i32
      %mul3A_148 = arith.muli %mul3A_147, %scan3A_55 : i32
      %add3A_149 = arith.constant 3 : i32
      %add3A_150 = arith.addi %mul3A_148, %add3A_149 : i32
      %mul3A_151 = arith.constant 128 : i32
      %mul3A_152 = arith.muli %add3A_150, %mul3A_151 : i32
      %add3A_153 = arith.addi %mul3A_146, %mul3A_152 : i32
      "tpu.region"() ({
        %run_scoped3A_154 = tpu.sem_alloc : memref<!tpu.dma_semaphore, #tpu.memory_space<semaphore_mem>>
        %dma_start3A_155 = arith.constant 0 : i32
        %dma_start3A_156 = tpu.memref_slice %arg6[%add3A_153, %dma_start3A_155] : memref<131072x128xf32, #tpu.memory_space<hbm>> -> memref<128x128xf32, #tpu.memory_space<hbm>>
        %dma_start3A_157 = arith.constant 0 : i32
        %dma_start3A_158 = tpu.memref_slice %arg6[%add3A_153, %dma_start3A_157] : memref<131072x128xf32, #tpu.memory_space<hbm>> -> memref<128x128xf32, #tpu.memory_space<hbm>>
        tpu.enqueue_dma source(%arg12 : memref<128x128xf32, #tpu.memory_space<vmem>>) target(%dma_start3A_158 : memref<128x128xf32, #tpu.memory_space<hbm>>) target_semaphore(%run_scoped3A_154 : memref<!tpu.dma_semaphore, #tpu.memory_space<semaphore_mem>>)
        %dma_wait3A_159 = arith.constant 0 : i32
        %dma_wait3A_160 = tpu.memref_slice %arg6[%add3A_153, %dma_wait3A_159] : memref<131072x128xf32, #tpu.memory_space<hbm>> -> memref<128x128xf32, #tpu.memory_space<hbm>>
        %dma_wait3A_161 = arith.constant 0 : i32
        %dma_wait3A_162 = tpu.memref_slice %arg6[%add3A_153, %dma_wait3A_161] : memref<131072x128xf32, #tpu.memory_space<hbm>> -> memref<128x128xf32, #tpu.memory_space<hbm>>
        tpu.wait_dma2 semaphore(%run_scoped3A_154 : memref<!tpu.dma_semaphore, #tpu.memory_space<semaphore_mem>>) src(%arg12 : memref<128x128xf32, #tpu.memory_space<vmem>>) dst(%dma_wait3A_162 : memref<128x128xf32, #tpu.memory_space<hbm>>)
        tpu.yield
      }) : () -> ()
    }
    %scan3A_54 = arith.constant 8 : i32
    return
  }
}

module attributes {stable_mosaic.version = 14 : i64} {
  func.func @_topk_body(%arg0: i32, %arg1: i32, %arg2: memref<1x2x512xf32, #tpu.memory_space<vmem>>, %arg3: memref<1x2048x2xf32, #tpu.memory_space<vmem>>, %arg4: memref<1x512x16xi32, #tpu.memory_space<vmem>>, %arg5: memref<1x512x16xi32, #tpu.memory_space<vmem>>, %arg6: memref<512x512xi32, #tpu.memory_space<vmem>>, %arg7: memref<512x512xi32, #tpu.memory_space<vmem>>, %arg8: memref<512x512xi32, #tpu.memory_space<vmem>>, %arg9: memref<512x512xi32, #tpu.memory_space<vmem>>, %arg10: memref<16x512xi32, #tpu.memory_space<vmem>>) attributes {dimension_semantics = [#tpu.dimension_semantics<arbitrary>, #tpu.dimension_semantics<arbitrary>], iteration_bounds = array<i64: 4, 4>, scalar_prefetch = 0 : i64, scratch_operands = 5 : i64, tpu.core_type = #tpu.core_type<tc>, window_params = [{transform_indices = @transform_0, window_bounds = array<i64: 1, 2, 512>}, {transform_indices = @transform_1, window_bounds = array<i64: 1, 2048, 2>}, {transform_indices = @transform_2, window_bounds = array<i64: 1, 512, 16>}, {transform_indices = @transform_3, window_bounds = array<i64: 1, 512, 16>}]} {
    %get3A = arith.constant 0 : index
    %get3A_0 = arith.constant 0 : index
    %get3A_1 = arith.constant 0 : index
    %get3A_2 = vector.load %arg2[%get3A, %get3A_0, %get3A_1] : memref<1x2x512xf32, #tpu.memory_space<vmem>>, vector<1x1x512xf32>
    %get3A_3 = vector.shape_cast %get3A_2 : vector<1x1x512xf32> to vector<1x512xf32>
    %get3A_4 = arith.constant 0 : index
    %get3A_5 = arith.constant 0 : index
    %get3A_6 = arith.constant 0 : index
    %get3A_7 = vector.load %arg3[%get3A_4, %get3A_5, %get3A_6] : memref<1x2048x2xf32, #tpu.memory_space<vmem>>, vector<1x512x1xf32>
    %get3A_8 = vector.shape_cast %get3A_7 : vector<1x512x1xf32> to vector<512x1xf32>
    %sub3A = vector.broadcast %get3A_3 : vector<1x512xf32> to vector<512x512xf32>
    %sub3A_9 = vector.broadcast %get3A_8 : vector<512x1xf32> to vector<512x512xf32>
    %sub3A_10 = arith.subf %sub3A, %sub3A_9 : vector<512x512xf32>
    %get3A_11 = arith.constant 0 : index
    %get3A_12 = arith.constant 1 : index
    %get3A_13 = arith.constant 0 : index
    %get3A_14 = vector.load %arg2[%get3A_11, %get3A_12, %get3A_13] : memref<1x2x512xf32, #tpu.memory_space<vmem>>, vector<1x1x512xf32>
    %get3A_15 = vector.shape_cast %get3A_14 : vector<1x1x512xf32> to vector<1x512xf32>
    %get3A_16 = arith.constant 0 : index
    %get3A_17 = arith.constant 0 : index
    %get3A_18 = arith.constant 1 : index
    %get3A_19 = vector.load %arg3[%get3A_16, %get3A_17, %get3A_18] : memref<1x2048x2xf32, #tpu.memory_space<vmem>>, vector<1x512x1xf32>
    %get3A_20 = vector.shape_cast %get3A_19 : vector<1x512x1xf32> to vector<512x1xf32>
    %sub3A_21 = vector.broadcast %get3A_15 : vector<1x512xf32> to vector<512x512xf32>
    %sub3A_22 = vector.broadcast %get3A_20 : vector<512x1xf32> to vector<512x512xf32>
    %sub3A_23 = arith.subf %sub3A_21, %sub3A_22 : vector<512x512xf32>
    %mul3A = arith.mulf %sub3A_10, %sub3A_10 : vector<512x512xf32>
    %mul3A_24 = arith.mulf %sub3A_23, %sub3A_23 : vector<512x512xf32>
    %add3A = arith.addf %mul3A, %mul3A_24 : vector<512x512xf32>
    %sqrt3A = math.sqrt %add3A : vector<512x512xf32>
    %bitcast_convert_type3A = tpu.bitcast %sqrt3A : vector<512x512xf32> -> vector<512x512xi32>
    %shift_left3A = arith.constant 2 : i32
    %shift_left3A_25 = vector.broadcast %shift_left3A : i32 to vector<512x512xi32>
    %shift_left3A_26 = arith.shli %bitcast_convert_type3A, %shift_left3A_25 : vector<512x512xi32>
    %or3A = arith.constant 0 : i32
    %or3A_27 = vector.broadcast %or3A : i32 to vector<512x512xi32>
    %or3A_28 = arith.ori %shift_left3A_26, %or3A_27 : vector<512x512xi32>
    %xor3A = arith.constant -2147483648 : i32
    %xor3A_29 = vector.broadcast %xor3A : i32 to vector<512x512xi32>
    %xor3A_30 = arith.xori %or3A_28, %xor3A_29 : vector<512x512xi32>
    %bitcast_convert_type3A_31 = tpu.bitcast %xor3A_30 : vector<512x512xi32> -> vector<512x512xi32>
    %get3A_32 = arith.constant 0 : index
    %get3A_33 = arith.constant 0 : index
    %get3A_34 = arith.constant 0 : index
    %get3A_35 = vector.load %arg2[%get3A_32, %get3A_33, %get3A_34] : memref<1x2x512xf32, #tpu.memory_space<vmem>>, vector<1x1x512xf32>
    %get3A_36 = vector.shape_cast %get3A_35 : vector<1x1x512xf32> to vector<1x512xf32>
    %get3A_37 = arith.constant 0 : index
    %get3A_38 = arith.constant 512 : index
    %get3A_39 = arith.constant 0 : index
    %get3A_40 = vector.load %arg3[%get3A_37, %get3A_38, %get3A_39] : memref<1x2048x2xf32, #tpu.memory_space<vmem>>, vector<1x512x1xf32>
    %get3A_41 = vector.shape_cast %get3A_40 : vector<1x512x1xf32> to vector<512x1xf32>
    %sub3A_42 = vector.broadcast %get3A_36 : vector<1x512xf32> to vector<512x512xf32>
    %sub3A_43 = vector.broadcast %get3A_41 : vector<512x1xf32> to vector<512x512xf32>
    %sub3A_44 = arith.subf %sub3A_42, %sub3A_43 : vector<512x512xf32>
    %get3A_45 = arith.constant 0 : index
    %get3A_46 = arith.constant 1 : index
    %get3A_47 = arith.constant 0 : index
    %get3A_48 = vector.load %arg2[%get3A_45, %get3A_46, %get3A_47] : memref<1x2x512xf32, #tpu.memory_space<vmem>>, vector<1x1x512xf32>
    %get3A_49 = vector.shape_cast %get3A_48 : vector<1x1x512xf32> to vector<1x512xf32>
    %get3A_50 = arith.constant 0 : index
    %get3A_51 = arith.constant 512 : index
    %get3A_52 = arith.constant 1 : index
    %get3A_53 = vector.load %arg3[%get3A_50, %get3A_51, %get3A_52] : memref<1x2048x2xf32, #tpu.memory_space<vmem>>, vector<1x512x1xf32>
    %get3A_54 = vector.shape_cast %get3A_53 : vector<1x512x1xf32> to vector<512x1xf32>
    %sub3A_55 = vector.broadcast %get3A_49 : vector<1x512xf32> to vector<512x512xf32>
    %sub3A_56 = vector.broadcast %get3A_54 : vector<512x1xf32> to vector<512x512xf32>
    %sub3A_57 = arith.subf %sub3A_55, %sub3A_56 : vector<512x512xf32>
    %mul3A_58 = arith.mulf %sub3A_44, %sub3A_44 : vector<512x512xf32>
    %mul3A_59 = arith.mulf %sub3A_57, %sub3A_57 : vector<512x512xf32>
    %add3A_60 = arith.addf %mul3A_58, %mul3A_59 : vector<512x512xf32>
    %sqrt3A_61 = math.sqrt %add3A_60 : vector<512x512xf32>
    %bitcast_convert_type3A_62 = tpu.bitcast %sqrt3A_61 : vector<512x512xf32> -> vector<512x512xi32>
    %shift_left3A_63 = arith.constant 2 : i32
    %shift_left3A_64 = vector.broadcast %shift_left3A_63 : i32 to vector<512x512xi32>
    %shift_left3A_65 = arith.shli %bitcast_convert_type3A_62, %shift_left3A_64 : vector<512x512xi32>
    %or3A_66 = arith.constant 1 : i32
    %or3A_67 = vector.broadcast %or3A_66 : i32 to vector<512x512xi32>
    %or3A_68 = arith.ori %shift_left3A_65, %or3A_67 : vector<512x512xi32>
    %xor3A_69 = arith.constant -2147483648 : i32
    %xor3A_70 = vector.broadcast %xor3A_69 : i32 to vector<512x512xi32>
    %xor3A_71 = arith.xori %or3A_68, %xor3A_70 : vector<512x512xi32>
    %bitcast_convert_type3A_72 = tpu.bitcast %xor3A_71 : vector<512x512xi32> -> vector<512x512xi32>
    %get3A_73 = arith.constant 0 : index
    %get3A_74 = arith.constant 0 : index
    %get3A_75 = arith.constant 0 : index
    %get3A_76 = vector.load %arg2[%get3A_73, %get3A_74, %get3A_75] : memref<1x2x512xf32, #tpu.memory_space<vmem>>, vector<1x1x512xf32>
    %get3A_77 = vector.shape_cast %get3A_76 : vector<1x1x512xf32> to vector<1x512xf32>
    %get3A_78 = arith.constant 0 : index
    %get3A_79 = arith.constant 1024 : index
    %get3A_80 = arith.constant 0 : index
    %get3A_81 = vector.load %arg3[%get3A_78, %get3A_79, %get3A_80] : memref<1x2048x2xf32, #tpu.memory_space<vmem>>, vector<1x512x1xf32>
    %get3A_82 = vector.shape_cast %get3A_81 : vector<1x512x1xf32> to vector<512x1xf32>
    %sub3A_83 = vector.broadcast %get3A_77 : vector<1x512xf32> to vector<512x512xf32>
    %sub3A_84 = vector.broadcast %get3A_82 : vector<512x1xf32> to vector<512x512xf32>
    %sub3A_85 = arith.subf %sub3A_83, %sub3A_84 : vector<512x512xf32>
    %get3A_86 = arith.constant 0 : index
    %get3A_87 = arith.constant 1 : index
    %get3A_88 = arith.constant 0 : index
    %get3A_89 = vector.load %arg2[%get3A_86, %get3A_87, %get3A_88] : memref<1x2x512xf32, #tpu.memory_space<vmem>>, vector<1x1x512xf32>
    %get3A_90 = vector.shape_cast %get3A_89 : vector<1x1x512xf32> to vector<1x512xf32>
    %get3A_91 = arith.constant 0 : index
    %get3A_92 = arith.constant 1024 : index
    %get3A_93 = arith.constant 1 : index
    %get3A_94 = vector.load %arg3[%get3A_91, %get3A_92, %get3A_93] : memref<1x2048x2xf32, #tpu.memory_space<vmem>>, vector<1x512x1xf32>
    %get3A_95 = vector.shape_cast %get3A_94 : vector<1x512x1xf32> to vector<512x1xf32>
    %sub3A_96 = vector.broadcast %get3A_90 : vector<1x512xf32> to vector<512x512xf32>
    %sub3A_97 = vector.broadcast %get3A_95 : vector<512x1xf32> to vector<512x512xf32>
    %sub3A_98 = arith.subf %sub3A_96, %sub3A_97 : vector<512x512xf32>
    %mul3A_99 = arith.mulf %sub3A_85, %sub3A_85 : vector<512x512xf32>
    %mul3A_100 = arith.mulf %sub3A_98, %sub3A_98 : vector<512x512xf32>
    %add3A_101 = arith.addf %mul3A_99, %mul3A_100 : vector<512x512xf32>
    %sqrt3A_102 = math.sqrt %add3A_101 : vector<512x512xf32>
    %bitcast_convert_type3A_103 = tpu.bitcast %sqrt3A_102 : vector<512x512xf32> -> vector<512x512xi32>
    %shift_left3A_104 = arith.constant 2 : i32
    %shift_left3A_105 = vector.broadcast %shift_left3A_104 : i32 to vector<512x512xi32>
    %shift_left3A_106 = arith.shli %bitcast_convert_type3A_103, %shift_left3A_105 : vector<512x512xi32>
    %or3A_107 = arith.constant 2 : i32
    %or3A_108 = vector.broadcast %or3A_107 : i32 to vector<512x512xi32>
    %or3A_109 = arith.ori %shift_left3A_106, %or3A_108 : vector<512x512xi32>
    %xor3A_110 = arith.constant -2147483648 : i32
    %xor3A_111 = vector.broadcast %xor3A_110 : i32 to vector<512x512xi32>
    %xor3A_112 = arith.xori %or3A_109, %xor3A_111 : vector<512x512xi32>
    %bitcast_convert_type3A_113 = tpu.bitcast %xor3A_112 : vector<512x512xi32> -> vector<512x512xi32>
    %get3A_114 = arith.constant 0 : index
    %get3A_115 = arith.constant 0 : index
    %get3A_116 = arith.constant 0 : index
    %get3A_117 = vector.load %arg2[%get3A_114, %get3A_115, %get3A_116] : memref<1x2x512xf32, #tpu.memory_space<vmem>>, vector<1x1x512xf32>
    %get3A_118 = vector.shape_cast %get3A_117 : vector<1x1x512xf32> to vector<1x512xf32>
    %get3A_119 = arith.constant 0 : index
    %get3A_120 = arith.constant 1536 : index
    %get3A_121 = arith.constant 0 : index
    %get3A_122 = vector.load %arg3[%get3A_119, %get3A_120, %get3A_121] : memref<1x2048x2xf32, #tpu.memory_space<vmem>>, vector<1x512x1xf32>
    %get3A_123 = vector.shape_cast %get3A_122 : vector<1x512x1xf32> to vector<512x1xf32>
    %sub3A_124 = vector.broadcast %get3A_118 : vector<1x512xf32> to vector<512x512xf32>
    %sub3A_125 = vector.broadcast %get3A_123 : vector<512x1xf32> to vector<512x512xf32>
    %sub3A_126 = arith.subf %sub3A_124, %sub3A_125 : vector<512x512xf32>
    %get3A_127 = arith.constant 0 : index
    %get3A_128 = arith.constant 1 : index
    %get3A_129 = arith.constant 0 : index
    %get3A_130 = vector.load %arg2[%get3A_127, %get3A_128, %get3A_129] : memref<1x2x512xf32, #tpu.memory_space<vmem>>, vector<1x1x512xf32>
    %get3A_131 = vector.shape_cast %get3A_130 : vector<1x1x512xf32> to vector<1x512xf32>
    %get3A_132 = arith.constant 0 : index
    %get3A_133 = arith.constant 1536 : index
    %get3A_134 = arith.constant 1 : index
    %get3A_135 = vector.load %arg3[%get3A_132, %get3A_133, %get3A_134] : memref<1x2048x2xf32, #tpu.memory_space<vmem>>, vector<1x512x1xf32>
    %get3A_136 = vector.shape_cast %get3A_135 : vector<1x512x1xf32> to vector<512x1xf32>
    %sub3A_137 = vector.broadcast %get3A_131 : vector<1x512xf32> to vector<512x512xf32>
    %sub3A_138 = vector.broadcast %get3A_136 : vector<512x1xf32> to vector<512x512xf32>
    %sub3A_139 = arith.subf %sub3A_137, %sub3A_138 : vector<512x512xf32>
    %mul3A_140 = arith.mulf %sub3A_126, %sub3A_126 : vector<512x512xf32>
    %mul3A_141 = arith.mulf %sub3A_139, %sub3A_139 : vector<512x512xf32>
    %add3A_142 = arith.addf %mul3A_140, %mul3A_141 : vector<512x512xf32>
    %sqrt3A_143 = math.sqrt %add3A_142 : vector<512x512xf32>
    %bitcast_convert_type3A_144 = tpu.bitcast %sqrt3A_143 : vector<512x512xf32> -> vector<512x512xi32>
    %shift_left3A_145 = arith.constant 2 : i32
    %shift_left3A_146 = vector.broadcast %shift_left3A_145 : i32 to vector<512x512xi32>
    %shift_left3A_147 = arith.shli %bitcast_convert_type3A_144, %shift_left3A_146 : vector<512x512xi32>
    %or3A_148 = arith.constant 3 : i32
    %or3A_149 = vector.broadcast %or3A_148 : i32 to vector<512x512xi32>
    %or3A_150 = arith.ori %shift_left3A_147, %or3A_149 : vector<512x512xi32>
    %xor3A_151 = arith.constant -2147483648 : i32
    %xor3A_152 = vector.broadcast %xor3A_151 : i32 to vector<512x512xi32>
    %xor3A_153 = arith.xori %or3A_150, %xor3A_152 : vector<512x512xi32>
    %bitcast_convert_type3A_154 = tpu.bitcast %xor3A_153 : vector<512x512xi32> -> vector<512x512xi32>
    %min3A = arith.minsi %bitcast_convert_type3A_31, %bitcast_convert_type3A_72 : vector<512x512xi32>
    %max3A = arith.maxsi %bitcast_convert_type3A_31, %bitcast_convert_type3A_72 : vector<512x512xi32>
    %min3A_155 = arith.minsi %bitcast_convert_type3A_113, %bitcast_convert_type3A_154 : vector<512x512xi32>
    %max3A_156 = arith.maxsi %bitcast_convert_type3A_113, %bitcast_convert_type3A_154 : vector<512x512xi32>
    %min3A_157 = arith.minsi %min3A, %min3A_155 : vector<512x512xi32>
    %max3A_158 = arith.maxsi %min3A, %min3A_155 : vector<512x512xi32>
    %min3A_159 = arith.minsi %max3A, %max3A_156 : vector<512x512xi32>
    %max3A_160 = arith.maxsi %max3A, %max3A_156 : vector<512x512xi32>
    %min3A_161 = arith.minsi %min3A_159, %max3A_158 : vector<512x512xi32>
    %max3A_162 = arith.maxsi %min3A_159, %max3A_158 : vector<512x512xi32>
    %swap3A = arith.constant 0 : index
    %swap3A_163 = arith.constant 0 : index
    %swap3A_164 = vector.load %arg6[%swap3A, %swap3A_163] : memref<512x512xi32, #tpu.memory_space<vmem>>, vector<512x512xi32>
    tpu.vector_store %arg6[%swap3A, %swap3A_163], %min3A_157 {strides = array<i32>} : memref<512x512xi32, #tpu.memory_space<vmem>>, vector<512x512xi32>,
    %swap3A_165 = arith.constant 0 : index
    %swap3A_166 = arith.constant 0 : index
    %swap3A_167 = vector.load %arg7[%swap3A_165, %swap3A_166] : memref<512x512xi32, #tpu.memory_space<vmem>>, vector<512x512xi32>
    tpu.vector_store %arg7[%swap3A_165, %swap3A_166], %min3A_161 {strides = array<i32>} : memref<512x512xi32, #tpu.memory_space<vmem>>, vector<512x512xi32>,
    %swap3A_168 = arith.constant 0 : index
    %swap3A_169 = arith.constant 0 : index
    %swap3A_170 = vector.load %arg8[%swap3A_168, %swap3A_169] : memref<512x512xi32, #tpu.memory_space<vmem>>, vector<512x512xi32>
    tpu.vector_store %arg8[%swap3A_168, %swap3A_169], %max3A_162 {strides = array<i32>} : memref<512x512xi32, #tpu.memory_space<vmem>>, vector<512x512xi32>,
    %swap3A_171 = arith.constant 0 : index
    %swap3A_172 = arith.constant 0 : index
    %swap3A_173 = vector.load %arg9[%swap3A_171, %swap3A_172] : memref<512x512xi32, #tpu.memory_space<vmem>>, vector<512x512xi32>
    tpu.vector_store %arg9[%swap3A_171, %swap3A_172], %max3A_160 {strides = array<i32>} : memref<512x512xi32, #tpu.memory_space<vmem>>, vector<512x512xi32>,
    %iota3A = tpu.iota {dimensions = array<i32: 0>} : vector<512x512xi32>
    %scan3A = arith.constant 2147483647 : i32
    %scan3A_174 = arith.constant 0 : i32
    %scan3A_175 = arith.constant 16 : i32
    %scan3A_176 = arith.addi %scan3A_174, %scan3A_175 : i32
    %scan3A_177 = arith.constant 1 : i32
    scf.for %scan3A_198 = %scan3A_174 to %scan3A_176 step %scan3A_177  : i32 {
      %get3A_199 = arith.constant 0 : index
      %get3A_200 = arith.constant 0 : index
      %get3A_201 = vector.load %arg6[%get3A_199, %get3A_200] : memref<512x512xi32, #tpu.memory_space<vmem>>, vector<512x512xi32>
      %reduce_min3A = arith.constant dense<2147483647> : vector<512xi32>
      %reduce_min3A_202 = vector.multi_reduction <minsi>, %get3A_201, %reduce_min3A [0] : vector<512x512xi32> to vector<512xi32>
      %broadcast_in_dim3A = vector.shape_cast %reduce_min3A_202 : vector<512xi32> to vector<1x512xi32>
      %eq3A = vector.broadcast %broadcast_in_dim3A : vector<1x512xi32> to vector<512x512xi32>
      %eq3A_203 = arith.cmpi eq, %get3A_201, %eq3A : vector<512x512xi32>
      %jit3A = arith.constant 512 : i32
      %broadcast_in_dim3A_204 = vector.broadcast %jit3A : i32 to vector<512x512xi32>
      %select_n3A = arith.select %eq3A_203, %iota3A, %broadcast_in_dim3A_204 : vector<512x512xi1>, vector<512x512xi32>
      %reduce_min3A_205 = arith.constant dense<2147483647> : vector<512xi32>
      %reduce_min3A_206 = vector.multi_reduction <minsi>, %select_n3A, %reduce_min3A_205 [0] : vector<512x512xi32> to vector<512xi32>
      %broadcast_in_dim3A_207 = vector.shape_cast %reduce_min3A_206 : vector<512xi32> to vector<1x512xi32>
      %and3A = arith.constant 3 : i32
      %and3A_208 = vector.broadcast %and3A : i32 to vector<1x512xi32>
      %and3A_209 = arith.andi %broadcast_in_dim3A, %and3A_208 : vector<1x512xi32>
      %mul3A_210 = arith.constant 512 : i32
      %mul3A_211 = vector.broadcast %mul3A_210 : i32 to vector<1x512xi32>
      %mul3A_212 = arith.muli %and3A_209, %mul3A_211 : vector<1x512xi32>
      %add3A_213 = arith.addi %broadcast_in_dim3A_207, %mul3A_212 : vector<1x512xi32>
      %swap3A_214 = arith.index_cast %scan3A_198 : i32 to index
      %swap3A_215 = arith.constant 0 : index
      %swap3A_216 = vector.load %arg10[%swap3A_214, %swap3A_215] : memref<16x512xi32, #tpu.memory_space<vmem>>, vector<1x512xi32>
      tpu.vector_store %arg10[%swap3A_214, %swap3A_215], %add3A_213 {strides = array<i32>} : memref<16x512xi32, #tpu.memory_space<vmem>>, vector<1x512xi32>,
      %eq3A_217 = vector.broadcast %broadcast_in_dim3A_207 : vector<1x512xi32> to vector<512x512xi32>
      %eq3A_218 = arith.cmpi eq, %iota3A, %eq3A_217 : vector<512x512xi32>
      %get3A_219 = arith.constant 0 : index
      %get3A_220 = arith.constant 0 : index
      %get3A_221 = vector.load %arg7[%get3A_219, %get3A_220] : memref<512x512xi32, #tpu.memory_space<vmem>>, vector<512x512xi32>
      %lt3A = arith.cmpi slt, %get3A_201, %get3A_221 : vector<512x512xi32>
      %get3A_222 = arith.constant 0 : index
      %get3A_223 = arith.constant 0 : index
      %get3A_224 = vector.load %arg7[%get3A_222, %get3A_223] : memref<512x512xi32, #tpu.memory_space<vmem>>, vector<512x512xi32>
      %get3A_225 = arith.constant 0 : index
      %get3A_226 = arith.constant 0 : index
      %get3A_227 = vector.load %arg8[%get3A_225, %get3A_226] : memref<512x512xi32, #tpu.memory_space<vmem>>, vector<512x512xi32>
      %lt3A_228 = arith.cmpi slt, %get3A_201, %get3A_227 : vector<512x512xi32>
      %get3A_229 = arith.constant 0 : index
      %get3A_230 = arith.constant 0 : index
      %get3A_231 = vector.load %arg8[%get3A_229, %get3A_230] : memref<512x512xi32, #tpu.memory_space<vmem>>, vector<512x512xi32>
      %get3A_232 = arith.constant 0 : index
      %get3A_233 = arith.constant 0 : index
      %get3A_234 = vector.load %arg9[%get3A_232, %get3A_233] : memref<512x512xi32, #tpu.memory_space<vmem>>, vector<512x512xi32>
      %lt3A_235 = arith.cmpi slt, %get3A_201, %get3A_234 : vector<512x512xi32>
      %get3A_236 = arith.constant 0 : index
      %get3A_237 = arith.constant 0 : index
      %get3A_238 = vector.load %arg9[%get3A_236, %get3A_237] : memref<512x512xi32, #tpu.memory_space<vmem>>, vector<512x512xi32>
      %broadcast_in_dim3A_239 = vector.broadcast %scan3A : i32 to vector<512x512xi32>
      %select_n3A_240 = arith.select %lt3A_235, %get3A_238, %broadcast_in_dim3A_239 : vector<512x512xi1>, vector<512x512xi32>
      %select_n3A_241 = arith.select %lt3A_228, %get3A_231, %select_n3A_240 : vector<512x512xi1>, vector<512x512xi32>
      %select_n3A_242 = arith.select %lt3A, %get3A_224, %select_n3A_241 : vector<512x512xi1>, vector<512x512xi32>
      %select_n3A_243 = arith.select %eq3A_218, %select_n3A_242, %get3A_201 : vector<512x512xi1>, vector<512x512xi32>
      %swap3A_244 = arith.constant 0 : index
      %swap3A_245 = arith.constant 0 : index
      %swap3A_246 = vector.load %arg6[%swap3A_244, %swap3A_245] : memref<512x512xi32, #tpu.memory_space<vmem>>, vector<512x512xi32>
      tpu.vector_store %arg6[%swap3A_244, %swap3A_245], %select_n3A_243 {strides = array<i32>} : memref<512x512xi32, #tpu.memory_space<vmem>>, vector<512x512xi32>,
    }
    %scan3A_178 = arith.constant 16 : i32
    %get3A_179 = arith.constant 0 : index
    %get3A_180 = arith.constant 0 : index
    %get3A_181 = vector.load %arg10[%get3A_179, %get3A_180] : memref<16x512xi32, #tpu.memory_space<vmem>>, vector<16x512xi32>
    %transpose3A = tpu.transpose %get3A_181, [1, 0] : vector<16x512xi32> -> vector<512x16xi32>
    %swap3A_182 = arith.constant 0 : index
    %swap3A_183 = arith.constant 0 : index
    %swap3A_184 = arith.constant 0 : index
    %swap3A_185 = vector.load %arg4[%swap3A_182, %swap3A_183, %swap3A_184] : memref<1x512x16xi32, #tpu.memory_space<vmem>>, vector<1x512x16xi32>
    %swap3A_186 = vector.shape_cast %swap3A_185 : vector<1x512x16xi32> to vector<512x16xi32>
    %swap3A_187 = vector.shape_cast %transpose3A : vector<512x16xi32> to vector<1x512x16xi32>
    tpu.vector_store %arg4[%swap3A_182, %swap3A_183, %swap3A_184], %swap3A_187 {strides = array<i32>} : memref<1x512x16xi32, #tpu.memory_space<vmem>>, vector<1x512x16xi32>,
    %mul3A_188 = arith.constant 2048 : i32
    %mul3A_189 = arith.muli %arg0, %mul3A_188 : i32
    %add3A_190 = vector.broadcast %mul3A_189 : i32 to vector<512x16xi32>
    %add3A_191 = arith.addi %transpose3A, %add3A_190 : vector<512x16xi32>
    %swap3A_192 = arith.constant 0 : index
    %swap3A_193 = arith.constant 0 : index
    %swap3A_194 = arith.constant 0 : index
    %swap3A_195 = vector.load %arg5[%swap3A_192, %swap3A_193, %swap3A_194] : memref<1x512x16xi32, #tpu.memory_space<vmem>>, vector<1x512x16xi32>
    %swap3A_196 = vector.shape_cast %swap3A_195 : vector<1x512x16xi32> to vector<512x16xi32>
    %swap3A_197 = vector.shape_cast %add3A_191 : vector<512x16xi32> to vector<1x512x16xi32>
    tpu.vector_store %arg5[%swap3A_192, %swap3A_193, %swap3A_194], %swap3A_197 {strides = array<i32>} : memref<1x512x16xi32, #tpu.memory_space<vmem>>, vector<1x512x16xi32>,
    return
  }
  func.func @transform_0(%arg0: i32, %arg1: i32) -> (i32, i32, i32) {
    %c0_i32 = arith.constant 0 : i32
    %c0_i32_0 = arith.constant 0 : i32
    return %arg0, %c0_i32, %arg1 : i32, i32, i32
  }
  func.func @transform_1(%arg0: i32, %arg1: i32) -> (i32, i32, i32) {
    %c0_i32 = arith.constant 0 : i32
    %c0_i32_0 = arith.constant 0 : i32
    %c0_i32_1 = arith.constant 0 : i32
    return %arg0, %c0_i32, %c0_i32_0 : i32, i32, i32
  }
  func.func @transform_2(%arg0: i32, %arg1: i32) -> (i32, i32, i32) {
    %c0_i32 = arith.constant 0 : i32
    %c0_i32_0 = arith.constant 0 : i32
    return %arg0, %arg1, %c0_i32 : i32, i32, i32
  }
  func.func @transform_3(%arg0: i32, %arg1: i32) -> (i32, i32, i32) {
    %c0_i32 = arith.constant 0 : i32
    %c0_i32_0 = arith.constant 0 : i32
    return %arg0, %arg1, %c0_i32 : i32, i32, i32
  }
}

</mosaic_0001>

<sc_bundles>
// kernel: kernel.4.cloned.1.call-start
scs
__scs_entry_jumppad:
0x0: {  	(pc) =	sbr.rel $0x88, $3  }
0x1: {  	(tag) =	ssettag $0x0;
	lr =	simm.s32 $0x1  }
0x2: {  	[smem:$0x3F9E] =	sst lr;
	_ =	strace $0xD0000000  }
0x3: {  	_ = 	snop  }
0x4: {  	_ = 	snop  }
0x5: {  	_ = 	snop  }
0x6: {  	_ = 	snop  }
0x7: {  	_ = 	snop  }
__scs_overlays_trampoline_lowered:
0x8: {  	[smem:$0x3FAD] =	sst s0  }
0x9: {  	[smem:$0x3FAE] =	sst s1  }
0xa: {  	[smem:$0x3FAF] =	sst s2  }
0xb: {  	[smem:$0x3FB0] =	sst s3  }
0xc: {  	[smem:$0x3FB1] =	sst s4  }
0xd: {  	[smem:$0x3FB2] =	sst s5  }
0xe: {  	[smem:$0x3FB3] =	sst s6  }
0xf: {  	[smem:$0x3FB4] =	sst s7  }
0x10: {  	[smem:$0x3FB5] =	sst s8  }
0x11: {  	[smem:$0x3FB6] =	sst s9;
	s0 =	simm.s32 @!p0 $0x0  }
0x12: {  	s1 =	sld [smem:$0x3F9C];
	s0 =	simm.s32 @p0 $0x1  }
0x13: {  	[smem:$0x3FB7] =	sst s0;
	s0 =	simm.s32 @!p1 $0x0  }
0x14: {  	s2 =	sld [smem:$0x3F9B];
	s0 =	simm.s32 @p1 $0x1  }
0x15: {  	[smem:$0x3FB8] =	sst s0;
	s0 =	simm.s32 @!p2 $0x0  }
0x16: {  	s3 =	sld [smem:$0x3FDB];
	s0 =	simm.s32 @p2 $0x1  }
0x17: {  	s4 =	simm.s32 $0x1BF5;
	[smem:$0x3FBA] =	sst s0  }
0x18: {  	s0 =	sld [smem:$0x3F9D];
	_ =	swait.ge [sflag:s4], $0x0  }
0x19: {  	s7 =	sld [smem:$0x3F9E]  }
0x1a: {  	s8 =	sadd.s32 $0xFFFFE003, lr  }
0x1b: {  	s9 =	sadd.s32 $0xFFFFFEF7, lr;
	s5 =	simm.s32 $0xFFFFFFFF;
	p2 =	slt.u32 s8, $0xFFFFF086  }
0x1c: {  	p1 =	slt.u32 s9, $0xF7A;
	s5 =	simm.s32 @!p2 $0x0  }
0x1d: {  	s5 =	simm.s32 @p1 $0x1;
	p0 =	seq.s32 s7, s2  }
0x1e: {  	s7 =	smul.u32 @!p0 $0xF7A, s2;
	p2 =	seq.s32 @!p0 s5, $0x0  }
0x1f: {  	s9 =	smul.u32 $0xF7A, s1;
	s8 =	simm.s32 @!p0 $0x1BF5;
	p2 =	por !p2, p0  }
0x20: {  	[sflag:s8] =	ssyncset.s32 @!p0 $0xFFFFF086;
	s6 =	sadd.s32 @!p0 s3, s7;
	s7 =	simm.s32 @!p0 $0x108  }
0x21: {  	s3 =	sadd.s32 s3, s9;
	s6 =	sadd.s32 @!p0 $0x88, s6;
	s7 =	simm.s32 @p2 $0x1082  }
0x22: {  	[simem:s7], [sflag:s8] =	dma.local @!p0 [hbm:s6], $0xF7A  }
0x23: {  	s9 =	sor.u32 $0xD0000000, s2;
	s6 =	simm.s32 $0x108;
	_ =	swait.ge @!p0 [sflag:s8], $0x0  }
0x24: {  	s3 =	sadd.s32 $0x88, s3;
	s6 =	simm.s32 @!p1 $0x1082;
	[sflag:s4] =	ssyncset.s32 $0xFFFFF086  }
0x25: {  	[simem:s6], [sflag:s4] =	dma.local [hbm:s3], $0xF7A  }
0x26: {  	[smem:$0x3F9E] =	sst s1;
	(tag) =	ssettag s2;
	_ =	strace s9  }
0x27: {  	s1 =	sld [smem:$0x3FAE]  }
0x28: {  	s2 =	sld [smem:$0x3FAF]  }
0x29: {  	s4 =	sld [smem:$0x3FB1]  }
0x2a: {  	p0 =	seq.s32 s5, $0x0;
	s5 =	sld [smem:$0x3FB2]  }
0x2b: {  	s6 =	sld [smem:$0x3FB3]  }
0x2c: {  	s7 =	sld [smem:$0x3FB4]  }
0x2d: {  	s3 =	simm.s32 $0x108;
	s8 =	sld [smem:$0x3FB5]  }
0x2e: {  	s3 =	simm.s32 @!p0 $0x1082;
	s9 =	sld [smem:$0x3FB6]  }
0x2f: {  	lr =	sadd.s32 s0, s3;
	s0 =	sld [smem:$0x3FAD]  }
0x30: {  	s3 =	sld [smem:$0x3FB0]  }
0x31: {  	[smem:$0x3FB9] =	sst s10  }
0x32: {  	s10 =	sld [smem:$0x3FB7];
	_ =	sdelay $0x3  }
0x33: {  	p0 =	seq.s32 s10, $0x1;
	s10 =	sld [smem:$0x3FB9];
	_ =	sdelay $0x3  }
0x34: {  	[smem:$0x3FB9] =	sst s10  }
0x35: {  	s10 =	sld [smem:$0x3FB8];
	_ =	sdelay $0x3  }
0x36: {  	p1 =	seq.s32 s10, $0x1;
	s10 =	sld [smem:$0x3FB9];
	_ =	sdelay $0x3  }
0x37: {  	[smem:$0x3FB9] =	sst s10  }
0x38: {  	s10 =	sld [smem:$0x3FBA]  }
0x39: {  	_ = 	snop;
	(pc) =	sbr.ind lr, $3  }
0x3a: {  	_ = 	snop  }
0x3b: {  	_ = 	snop  }
0x3c: {  	p2 =	seq.s32 s10, $0x1;
	s10 =	sld [smem:$0x3FB9]  }
0x3d: {  	_ =	shalt  }
0x3e: {  	_ =	shalt  }
0x3f: {  	_ =	shalt  }
0x40: {  	_ =	shalt  }
0x41: {  	_ =	shalt  }
0x42: {  	_ =	shalt  }
0x43: {  	_ =	shalt  }
0x44: {  	_ =	shalt  }
0x45: {  	_ =	shalt  }
0x46: {  	_ =	shalt  }
0x47: {  	_ =	shalt  }
0x48: {  	_ =	shalt  }
0x49: {  	_ =	shalt  }
0x4a: {  	_ =	shalt  }
0x4b: {  	_ =	shalt  }
0x4c: {  	_ =	shalt  }
0x4d: {  	_ =	shalt  }
0x4e: {  	_ =	shalt  }
0x4f: {  	_ =	shalt  }
0x50: {  	_ =	shalt  }
0x51: {  	_ =	shalt  }
0x52: {  	_ =	shalt  }
0x53: {  	_ =	shalt  }
0x54: {  	_ =	shalt  }
0x55: {  	_ =	shalt  }
0x56: {  	_ =	shalt  }
0x57: {  	_ =	shalt  }
0x58: {  	_ =	shalt  }
0x59: {  	_ =	shalt  }
0x5a: {  	_ =	shalt  }
0x5b: {  	_ =	shalt  }
0x5c: {  	_ =	shalt  }
0x5d: {  	_ =	shalt  }
0x5e: {  	_ =	shalt  }
0x5f: {  	_ =	shalt  }
0x60: {  	_ =	shalt  }
0x61: {  	_ =	shalt  }
0x62: {  	_ =	shalt  }
0x63: {  	_ =	shalt  }
0x64: {  	_ =	shalt  }
0x65: {  	_ =	shalt  }
0x66: {  	_ =	shalt  }
0x67: {  	_ =	shalt  }
0x68: {  	_ =	shalt  }
0x69: {  	_ =	shalt  }
0x6a: {  	_ =	shalt  }
0x6b: {  	_ =	shalt  }
0x6c: {  	_ =	shalt  }
0x6d: {  	_ =	shalt  }
0x6e: {  	_ =	shalt  }
0x6f: {  	_ =	shalt  }
0x70: {  	_ =	shalt  }
0x71: {  	_ =	shalt  }
0x72: {  	_ =	shalt  }
0x73: {  	_ =	shalt  }
0x74: {  	_ =	shalt  }
0x75: {  	_ =	shalt  }
0x76: {  	_ =	shalt  }
0x77: {  	_ =	shalt  }
0x78: {  	_ =	shalt  }
0x79: {  	_ =	shalt  }
0x7a: {  	_ =	shalt  }
0x7b: {  	_ =	shalt  }
0x7c: {  	_ =	shalt  }
0x7d: {  	_ =	shalt  }
0x7e: {  	_ =	shalt  }
0x7f: {  	_ =	shalt  }
0x80: {  	_ =	shalt  }
0x81: {  	_ =	shalt  }
0x82: {  	_ =	shalt  }
0x83: {  	_ =	shalt  }
0x84: {  	_ =	shalt  }
0x85: {  	_ =	shalt  }
0x86: {  	_ =	shalt  }
0x87: {  	_ =	shalt  }
.Lfunc_end0:
.L_simem_size_0:
called_computation_lowered:
.L_overlay_start_0:
0x88: {  	s2 =	sld [smem:$0x3FD9]  }
0x89: {  	s3 =	sld [smem:$0x3FFE];
	_ =	sdelay $0x1  }
0x8a: {  	s1 =	srdreg.scid  }
0x8b: {  	s0 =	sand.u32 $0x1, s1  }
0x8c: {  	s14 =	sshll.u32 s0, $0xA;
	s2 =	sadd.s32 s3, s2  }
0x8d: {  	s2 =	sadd.s32 s2, s14  }
0x8e: {  	[smem:$0x3FC5] =	sst s2  }
0x8f: {  	_ = 	snop  }
0x90: {  	s2 =	sld [smem:$0x3FD0];
	_ =	sdelay $0x2  }
0x91: {  	s4 =	simm.s32 $0xA;
	s5 =	simm.s32 $0x10;
	s15 =	sld [smem:$0x3FC9]  }
0x92: {  	[smem:s5], [sflag:s4] =	dma.local [hbm:s2], $0x1  }
0x93: {  	_ =	swait.eq [sflag:s4], $0x1  }
0x94: {  	[sflag:s4] =	ssyncset.done $0x0  }
0x95: {  	s16 =	sld [smem:$0x10];
	[sflag:s4] =	ssyncadd.s32 $0xFFFFFFFF  }
0x96: {  	s17 =	sld [smem:$0x12];
	(tm) =	ssettm $0x1  }
0x97: {  	s18 =	sld [smem:$0x3FFB];
	_ =	sdelay $0x3  }
0x98: {  	_ =	strace s18  }
0x99: {  	s5 =	sld [smem:$0x3FFC];
	_ =	sdelay $0x3  }
0x9a: {  	_ =	strace s5  }
0x9b: {  	s5 =	sld [smem:$0x3FFD];
	_ =	sdelay $0x3  }
0x9c: {  	_ =	strace s5  }
0x9d: {  	_ =	strace $0x8FFFFFFF  }
0x9e: {  	s19 =	sld [smem:$0x3FDB];
	_ =	sdelay $0x1  }
0x9f: {  	s6 =	simm.s32 $_scs_section_size  }
0xa0: {  	s7 =	simm.s32 $_size__tile_overlayer_lowered;
	s8 =	simm.s32 $_tile_overlayer_lowered  }
0xa1: {  	s22 =	simm.s32 $0x1BFF;
	s21 =	sshll.u32 s8, $0x1;
	s5 =	sadd.s32 s6, s19  }
0xa2: {  	s9 =	simm.s32 $0x0;
	s20 =	sshll.u32 s7, $0x1;
	s7 =	sadd.s32 s21, s5  }
0xa3: {  	[timem:s9], [sflag:s22] =	dma.local [hbm:s7], s20  }
0xa4: {  	_ =	swait.ge [sflag:s22], s20  }
0xa5: {  	s6 =	ssub.s32 $0x0, s20;
	[sflag:s22] =	ssyncset.done $0x0  }
0xa6: {  	[sflag:s22] =	ssyncadd.s32 s6;
	_ =	sdelay $0x1  }
0xa7: {  	s23 =	simm.s32 $0x1B8B  }
0xa8: {  	_ =	swait.ge [sflag:s23], $0x1  }
0xa9: {  	[sflag:s23] =	ssyncset.done $0x0  }
0xaa: {  	s25 =	simm.s32 $0x1B8E;
	s24 =	sld [smem:$0x3FFE];
	[sflag:s23] =	ssyncadd.s32 $0xFFFFFFFF  }
0xab: {  	s26 =	simm.s32 $execute0_lowered;
	[smem:$0x3FD2] =	sst s25  }
0xac: {  	s7 =	sshll.u32 s26, $0x1;
	_ =	strace $0x80000046;
	[dreg:$0x1] =	wrdreg $0xFFFFFFFF  }
0xad: {  	s28 =	simm.s32 $_size_execute0_lowered;
	s5 =	sadd.s32 s5, s7;
	[dreg:$0x0] =	wrdreg $0x0  }
0xae: {  	s7 =	sshll.u32 s28, $0x1;
	[dreg:$0x2] =	wrdreg s5  }
0xaf: {  	[dreg:$0x3] =	wrdreg s7  }
0xb0: {  	[dreg:$0x4] =	wrdreg $0xC0  }
0xb1: {  	_ =	task [dreg:s9], $0x5FFFF  }
0xb2: {  	[dreg:$0x1] =	wrdreg $0xFFFFFFFF  }
0xb3: {  	[dreg:$0x0] =	wrdreg $0x60  }
0xb4: {  	[dreg:$0x2] =	wrdreg s15  }
0xb5: {  	[dreg:$0x3] =	wrdreg s24  }
0xb6: {  	[dreg:$0x4] =	wrdreg s16  }
0xb7: {  	[dreg:$0x5] =	wrdreg s17  }
0xb8: {  	[dreg:$0x6] =	wrdreg $0x9  }
0xb9: {  	_ =	task.clear_ibuf [dreg:s9], $0x7FFFF;
	_ =	strace $0x90000046  }
0xba: {  	s29 =	simm.s32 $0x9;
	_ =	strace $0x80000048  }
0xbb: {  	_ =	swait.ge [sflag:s29], $0x1  }
0xbc: {  	[sflag:s29] =	ssyncadd.s32 $0xFFFFFFFF  }
0xbd: {  	_ =	strace $0x90000048  }
0xbe: {  	_ =	sfence  }
0xbf: {  	s30 =	sld [smem:$0x0];
	_ =	sdelay $0x2  }
0xc0: {  	s31 =	sshll.u32 s1, $0xD;
	s1 =	sshrl.u32 s1, $0x2  }
0xc1: {  	s3 =	sand.u32 $0x4000, s31;
	s1 =	sadd.s32 s1, s30  }
0xc2: {  	s0 =	sor.u32 s3, s0;
	s1 =	sshll.u32 s1, $0x11  }
0xc3: {  	s0 =	sor.u32 s1, s0  }
0xc4: {  	s0 =	sadd.s32 $0x8F2B, s0  }
0xc5: {  	[sflag:s0] =	ssyncadd.remote.s32 $0x1  }
0xc6: {  	_ =	sfence.sel $0xFFFF  }
0xc7: {  	[dreg:$0x0] =	wrdreg $0xFFFFFFFF;
	(pc) =	sbr.abs _section_cstart, $3  }
0xc8: {  	[dreg:$0x1] =	wrdreg $0xFFFFFFFF  }
0xc9: {  	_ =	task.clear_ibuf [dreg:s9], $0x2FFFF;
	_ =	strace $0x9FFFFFFF  }
0xca: {  	(tm) =	ssettm $0x7FFFFFFF  }
0xcb: {  	_ =	shalt  }
tec
execute0_lowered:
.L_overlay_start_1:
0x0: {  	(tag) =	ssettag $0x1  }
0x1: {  	s1 =	rddreg [dreg:$0x0]  }
0x2: {  	s0 =	rddreg [dreg:$0x1]  }
0x3: {  	s2 =	rddreg [dreg:$0x2];
	s3 =	srdreg.scid  }
0x4: {  	s11 =	stileid.u32;
	s4 =	rddreg [dreg:$0x3];
	s15 =	simm.s32 $0x5  }
0x5: {  	s16 =	simm.s32 $0x11000;
	s17 =	simm.s32 $0x15000;
	s28 =	simm.s32 $0x2  }
0x6: {  	s29 =	simm.s32 $0x3;
	s30 =	simm.s32 $0x4;
	s31 =	simm.s32 $0x0  }
0x7: {  	s5 =	sand.u32 $0x1, s3;
	s6 =	sshll.u32 s11, $0x1;
	s3 =	simm.s32 $0x0  }
0x8: {  	s10 =	sshll.u32 s11, $0xE;
	s24 =	sshll.u32 s11, $0x11;
	s6 =	sor.u32 s5, s6  }
0x9: {  	[smem:$0x7FF] =	sst s3;
	s19 =	ssub.s32 $0x2, s5;
	s10 =	sand.u32 $0x30000, s10  }
0xa: {  	s5 =	sshll.u32 s5, $0x10;
	s11 =	sadd.s32 s24, s2;
	s7 =	sshll.u32 s6, $0x9  }
0xb: {  	_ =	strace $0x80000047;
	s8 =	sshll.u32 s6, $0x5;
	s9 =	sshrl.u32 s19, $0x1  }
0xc: {  	s6 =	sshll.u32 s6, $0xC;
	s26 =	sor.u32 s5, s24;
	s11 =	sadd.s32 s5, s11  }
0xd: {  	s24 =	simm.s32 $0x9000;
	s7 =	sadd.s32 s7, s0;
	s8 =	sadd.s32 s8, s0  }
0xe: {  	s0 =	sadd.s32 $0xE00, s0;
	s20 =	sand.u32 $0x7000, s6;
	s2 =	sadd.s32 s26, s2  }
0xf: {  	s26 =	simm.s32 $0x1;
	[dreg:$0x5] =	wrdreg s0;
	s0 =	ssub.s32 s19, s9  }
0x10: {  	s21 =	sadd.s32 $0x1E00, s7;
	s22 =	sadd.s32 $0x1600, s8;
	s23 =	sor.u32 s10, s20  }
0x11: {  	s25 =	sadd.s32 $0x1A00, s8;
	s12 =	sadd.s32 $0x1000, s2;
	[dreg:$0x6] =	wrdreg s21  }
0x12: {  	s13 =	sadd.s32 $0x800, s2;
	s14 =	sadd.s32 $0x1800, s2;
	[dreg:$0x7] =	wrdreg s22  }
0x13: {  	s9 =	sshrl.u32 s23, $0x3;
	[dreg:$0x8] =	wrdreg s25;
	s10 =	smax.u32 s0, $0x1  }
0x14: {  	s21 =	simm.s32 $0x80;
	s22 =	simm.s32 $0x1000;
	s8 =	sadd.s32 s4, s9  }
0x15: {  	s23 =	simm.s32 $0x5000;
	s25 =	simm.s32 $0xD000;
	s9 =	sadd.s32 $0x1000, s8  }
.LBB2_1:
0x16: {  	s0 =	rddreg [dreg:$0x6]  }
0x17: {  	[tilespmem:s3], [sflag:$0x5] =	stream.linear.gather [hbm4b:s0+s3], $0x1000, $0x38;
	[tilespmem:$0x17200] =	vst v63  }
0x18: {  	_ =	swait.ge [sflag:s15], $0x1000  }
0x19: {  	[sflag:s15] =	ssyncset.done $0x0  }
0x1a: {  	s5 =	rddreg [dreg:$0x5];
	[sflag:s15] =	ssyncadd.s32 $0xFFFFF000  }
0x1b: {  	[tilespmem:s16], [sflag:$0x5] =	stream.linear.gather [hbm4b:s5+s3], $0x4000, $0x38;
	[tilespmem:$0x17200] =	vst v63  }
0x1c: {  	_ =	swait.ge [sflag:s15], $0x4000  }
0x1d: {  	[sflag:s15] =	ssyncset.done $0x0  }
0x1e: {  	s6 =	rddreg [dreg:$0x7];
	[sflag:s15] =	ssyncadd.s32 $0xFFFFC000  }
0x1f: {  	[tilespmem:s17], [sflag:$0x5] =	stream.linear.gather [hbm4b:s6+s3], $0x100, $0x38;
	[tilespmem:$0x17200] =	vst v63  }
0x20: {  	_ =	swait.ge [sflag:s15], $0x100  }
0x21: {  	[sflag:s15] =	ssyncset.done $0x0  }
0x22: {  	s2 =	simm.s32 $0x15100;
	s7 =	rddreg [dreg:$0x8];
	[sflag:s15] =	ssyncadd.s32 $0xFFFFFF00  }
0x23: {  	[tilespmem:s2], [sflag:$0x5] =	stream.linear.gather [hbm4b:s7+s3], $0x100, $0x38;
	[tilespmem:$0x17200] =	vst v63  }
0x24: {  	s18 =	sand.u32 $0x3E00, s3;
	_ =	swait.ge [sflag:s15], $0x100  }
0x25: {  	s19 =	sand.u32 $0x70, s3;
	s0 =	sshrl.u32 s18, $0x2;
	[sflag:s15] =	ssyncset.done $0x0  }
0x26: {  	s0 =	sor.u32 s19, s0;
	[sflag:s15] =	ssyncadd.s32 $0xFFFFFF00  }
0x27: {  	v0 =	vld [tilespmem:s0+$0x0];
	_ =	sdelay $0x1  }
0x28: {  	v1 =	vmov s3;
	_ =	sdelay $0x4  }
0x29: {  	v2 =	vld.idx.msk [tilespmem:v1+s17+$0x0], $0xffff  }
0x2a: {  	v3 =	vld.idx.msk [tilespmem:v0+s16+$0x0], $0xffff;
	_ =	sdelay $0x2  }
0x2b: {  	v0 =	vadd.s32 $0x2000, v0  }
0x2c: {  	v1 =	vor.u32 $0x100, v1  }
0x2d: {  	v2 =	vsub.f32 v2, v3  }
0x2e: {  	s4 =	simm.s32 $0x0  }
0x2f: {  	[tilespmem:s4+$0x15200] =	vst v2  }
0x30: {  	v0 =	vld.idx.msk [tilespmem:v0+s16+$0x0], $0xffff  }
0x31: {  	v1 =	vld.idx.msk [tilespmem:v1+s17+$0x0], $0xffff;
	_ =	sdelay $0x2  }
0x32: {  	s20 =	simm.s32 $0x10  }
0x33: {  	s18 =	sand.u32 $0x70, s20;
	s20 =	simm.s32 $0x20;
	s0 =	simm.s32 $0x40  }
0x34: {  	s19 =	simm.s32 $0x2;
	s2 =	simm.s32 $0x1;
	s5 =	sand.u32 $0x3E00, s0;
	v0 =	vsub.f32 v1, v0  }
.LBB2_2:
0x35: {  	s6 =	sand.u32 $0x70, s20  }
0x36: {  	p0 =	sne.s32 s19, $0xFF;
	s5 =	sshrl.u32 s5, $0x2;
	s7 =	smov.u32 s19  }
0x37: {  	s19 =	sadd.s32 $0x1, s19;
	s5 =	sor.u32 s18, s5;
	[tilespmem:s4+$0x16200] =	vst v0;
	s18 =	smov.u32 s6  }
0x38: {  	v0 =	vld [tilespmem:s5+$0x0];
	_ =	sdelay $0x1  }
0x39: {  	v1 =	vmov s2;
	s2 =	smov.u32 s7;
	_ =	sdelay $0x4  }
0x3a: {  	v2 =	vld.idx.msk [tilespmem:v1+s17+$0x0], $0xffff  }
0x3b: {  	v3 =	vld.idx.msk [tilespmem:v0+s16+$0x0], $0xffff;
	_ =	sdelay $0x3  }
0x3c: {  	v1 =	vor.u32 $0x100, v1;
	v0 =	vadd.s32 $0x2000, v0;
	_ =	sdelay $0x1  }
0x3d: {  	v2 =	vsub.f32 v2, v3  }
0x3e: {  	s4 =	sshra.s32 s0, $0x2  }
0x3f: {  	[tilespmem:s4+$0x15200] =	vst v2  }
0x40: {  	v0 =	vld.idx.msk [tilespmem:v0+s16+$0x0], $0xffff  }
0x41: {  	v1 =	vld.idx.msk [tilespmem:v1+s17+$0x0], $0xffff;
	_ =	sdelay $0x1  }
.Ltmp0:
0x42: {  	(pc) =	sbr.rel @p0 .LBB2_2-.Ltmp0, $3  }
0x43: {  	_ =	sdelay $0x1  }
0x44: {  	s0 =	sadd.s32 $0x40, s0  }
0x45: {  	s20 =	sadd.s32 $0x10, s20;
	s5 =	sand.u32 $0x3E00, s0;
	v0 =	vsub.f32 v1, v0  }
0x46: {  	s5 =	sshrl.u32 s5, $0x2  }
0x47: {  	s5 =	sor.u32 s18, s5;
	[tilespmem:s4+$0x16200] =	vst v0  }
0x48: {  	v0 =	vld [tilespmem:s5+$0x0];
	_ =	sdelay $0x1  }
0x49: {  	v1 =	vmov s2;
	_ =	sdelay $0x4  }
0x4a: {  	v2 =	vld.idx.msk [tilespmem:v1+s17+$0x0], $0xffff  }
0x4b: {  	v3 =	vld.idx.msk [tilespmem:v0+s16+$0x0], $0xffff;
	_ =	sdelay $0x2  }
0x4c: {  	v0 =	vadd.s32 $0x2000, v0  }
0x4d: {  	v1 =	vor.u32 $0x100, v1  }
0x4e: {  	v2 =	vsub.f32 v2, v3  }
0x4f: {  	s0 =	sshra.s32 s0, $0x2  }
0x50: {  	[tilespmem:s0+$0x15200] =	vst v2  }
0x51: {  	v0 =	vld.idx.msk [tilespmem:v0+s16+$0x0], $0xffff  }
0x52: {  	v1 =	vld.idx.msk [tilespmem:v1+s17+$0x0], $0xffff;
	_ =	sdelay $0x4  }
0x53: {  	v0 =	vsub.f32 v1, v0;
	_ =	sdelay $0x1  }
0x54: {  	s2 =	simm.s32 $0x0;
	s19 =	simm.s32 $0x15200;
	[tilespmem:s0+$0x16200] =	vst v0  }
0x55: {  	[hbm4b:s8+s2] =	stream.linear.scatter [tilespmem:s19], [sflag:$0x5], $0x1000, $0x38;
	[tilespmem:$0x17200] =	vst v63  }
0x56: {  	_ =	swait.ge [sflag:s15], $0x1000  }
0x57: {  	[sflag:s15] =	ssyncset.done $0x0  }
0x58: {  	s20 =	simm.s32 $0x16200;
	[sflag:s15] =	ssyncadd.s32 $0xFFFFF000  }
0x59: {  	[hbm4b:s9+s2] =	stream.linear.scatter [tilespmem:s20], [sflag:$0x5], $0x1000, $0x38;
	[tilespmem:$0x17200] =	vst v63  }
0x5a: {  	_ =	swait.ge [sflag:s15], $0x1000  }
0x5b: {  	[sflag:s15] =	ssyncset.done $0x0  }
0x5c: {  	[sflag:s15] =	ssyncadd.s32 $0xFFFFF000  }
0x5d: {  	[tilespmem:s22], [sflag:$0x1] =	stream.indirect.gather [hbm4b:s1+s21], $0x80, s2, s21, $0xb8;
	[tilespmem:$0x17200] =	vst v63  }
0x5e: {  	s4 =	simm.s32 $0x80  }
0x5f: {  	[tilespmem:s23], [sflag:$0x2] =	stream.indirect.gather [hbm4b:s1+s21], $0x80, s4, s21, $0xb8;
	[tilespmem:$0x17200] =	vst v63  }
0x60: {  	s5 =	simm.s32 $0x100  }
0x61: {  	[tilespmem:s24], [sflag:$0x3] =	stream.indirect.gather [hbm4b:s1+s21], $0x80, s5, s21, $0xb8;
	[tilespmem:$0x17200] =	vst v63  }
0x62: {  	s6 =	simm.s32 $0x180  }
0x63: {  	[tilespmem:s25], [sflag:$0x4] =	stream.indirect.gather [hbm4b:s1+s21], $0x80, s6, s21, $0xb8;
	[tilespmem:$0x17200] =	vst v63  }
0x64: {  	_ =	swait.ge [sflag:s26], $0x4000  }
0x65: {  	[sflag:s26] =	ssyncset.done $0x0  }
0x66: {  	s7 =	sadd.s32 $0x0, s11;
	[sflag:s26] =	ssyncadd.s32 $0xFFFFC000  }
0x67: {  	[hbm4b:s7+s3] =	stream.linear.scatter [tilespmem:s22], [sflag:$0x5], $0x4000, $0x38;
	[tilespmem:$0x17200] =	vst v63  }
0x68: {  	_ =	swait.ge [sflag:s15], $0x4000  }
0x69: {  	[sflag:s15] =	ssyncset.done $0x0  }
0x6a: {  	[sflag:s15] =	ssyncadd.s32 $0xFFFFC000  }
0x6b: {  	_ =	swait.ge [sflag:s28], $0x4000  }
0x6c: {  	[sflag:s28] =	ssyncset.done $0x0  }
0x6d: {  	s18 =	sadd.s32 $0x0, s13;
	[sflag:s28] =	ssyncadd.s32 $0xFFFFC000  }
0x6e: {  	[hbm4b:s18+s3] =	stream.linear.scatter [tilespmem:s23], [sflag:$0x5], $0x4000, $0x38;
	[tilespmem:$0x17200] =	vst v63  }
0x6f: {  	_ =	swait.ge [sflag:s15], $0x4000  }
0x70: {  	[sflag:s15] =	ssyncset.done $0x0  }
0x71: {  	[sflag:s15] =	ssyncadd.s32 $0xFFFFC000  }
0x72: {  	_ =	swait.ge [sflag:s29], $0x4000  }
0x73: {  	[sflag:s29] =	ssyncset.done $0x0  }
0x74: {  	s19 =	sadd.s32 $0x0, s12;
	[sflag:s29] =	ssyncadd.s32 $0xFFFFC000  }
0x75: {  	[hbm4b:s19+s3] =	stream.linear.scatter [tilespmem:s24], [sflag:$0x5], $0x4000, $0x38;
	[tilespmem:$0x17200] =	vst v63  }
0x76: {  	_ =	swait.ge [sflag:s15], $0x4000  }
0x77: {  	[sflag:s15] =	ssyncset.done $0x0  }
0x78: {  	[sflag:s15] =	ssyncadd.s32 $0xFFFFC000  }
0x79: {  	_ =	swait.ge [sflag:s30], $0x4000  }
0x7a: {  	[sflag:s30] =	ssyncset.done $0x0  }
0x7b: {  	s20 =	sadd.s32 $0x0, s14;
	[sflag:s30] =	ssyncadd.s32 $0xFFFFC000  }
0x7c: {  	[hbm4b:s20+s3] =	stream.linear.scatter [tilespmem:s25], [sflag:$0x5], $0x4000, $0x38;
	[tilespmem:$0x17200] =	vst v63  }
0x7d: {  	_ =	swait.ge [sflag:s15], $0x4000  }
0x7e: {  	s0 =	simm.s32 $0x2000;
	[sflag:s15] =	ssyncset.done $0x0  }
.LBB2_4:
0x7f: {  	p0 =	sne.s32 s0, $0xE000;
	[sflag:s15] =	ssyncadd.s32 $0xFFFFC000;
	s2 =	sadd.s32 $0x200, s2  }
0x80: {  	[tilespmem:s22], [sflag:$0x1] =	stream.indirect.gather [hbm4b:s1+s21], $0x80, s2, s21, $0xb8;
	[tilespmem:$0x17200] =	vst v63  }
0x81: {  	s18 =	smov.u32 s0;
	s0 =	sadd.s32 $0x2000, s0;
	s4 =	sadd.s32 $0x80, s2  }
0x82: {  	[tilespmem:s23], [sflag:$0x2] =	stream.indirect.gather [hbm4b:s1+s21], $0x80, s4, s21, $0xb8;
	[tilespmem:$0x17200] =	vst v63  }
0x83: {  	s4 =	sadd.s32 $0x100, s2  }
0x84: {  	[tilespmem:s24], [sflag:$0x3] =	stream.indirect.gather [hbm4b:s1+s21], $0x80, s4, s21, $0xb8;
	[tilespmem:$0x17200] =	vst v63  }
0x85: {  	s4 =	sadd.s32 $0x180, s2  }
0x86: {  	[tilespmem:s25], [sflag:$0x4] =	stream.indirect.gather [hbm4b:s1+s21], $0x80, s4, s21, $0xb8;
	[tilespmem:$0x17200] =	vst v63  }
0x87: {  	_ =	swait.ge [sflag:s26], $0x4000  }
0x88: {  	[sflag:s26] =	ssyncset.done $0x0  }
0x89: {  	s4 =	sadd.s32 s18, s11;
	[sflag:s26] =	ssyncadd.s32 $0xFFFFC000  }
0x8a: {  	[hbm4b:s4+s3] =	stream.linear.scatter [tilespmem:s22], [sflag:$0x5], $0x4000, $0x38;
	[tilespmem:$0x17200] =	vst v63  }
0x8b: {  	_ =	swait.ge [sflag:s15], $0x4000  }
0x8c: {  	[sflag:s15] =	ssyncset.done $0x0  }
0x8d: {  	[sflag:s15] =	ssyncadd.s32 $0xFFFFC000  }
0x8e: {  	_ =	swait.ge [sflag:s28], $0x4000  }
0x8f: {  	[sflag:s28] =	ssyncset.done $0x0  }
0x90: {  	s4 =	sadd.s32 s18, s13;
	[sflag:s28] =	ssyncadd.s32 $0xFFFFC000  }
0x91: {  	[hbm4b:s4+s3] =	stream.linear.scatter [tilespmem:s23], [sflag:$0x5], $0x4000, $0x38;
	[tilespmem:$0x17200] =	vst v63  }
0x92: {  	_ =	swait.ge [sflag:s15], $0x4000  }
0x93: {  	[sflag:s15] =	ssyncset.done $0x0  }
0x94: {  	[sflag:s15] =	ssyncadd.s32 $0xFFFFC000  }
0x95: {  	_ =	swait.ge [sflag:s29], $0x4000  }
0x96: {  	[sflag:s29] =	ssyncset.done $0x0  }
0x97: {  	s4 =	sadd.s32 s18, s12;
	[sflag:s29] =	ssyncadd.s32 $0xFFFFC000  }
0x98: {  	[hbm4b:s4+s3] =	stream.linear.scatter [tilespmem:s24], [sflag:$0x5], $0x4000, $0x38;
	[tilespmem:$0x17200] =	vst v63  }
0x99: {  	_ =	swait.ge [sflag:s15], $0x4000  }
0x9a: {  	[sflag:s15] =	ssyncset.done $0x0  }
0x9b: {  	[sflag:s15] =	ssyncadd.s32 $0xFFFFC000  }
0x9c: {  	_ =	swait.ge [sflag:s30], $0x4000  }
.Ltmp1:
0x9d: {  	[sflag:s30] =	ssyncset.done $0x0;
	(pc) =	sbr.rel @p0 .LBB2_4-.Ltmp1, $4  }
0x9e: {  	s4 =	sadd.s32 s18, s14;
	[sflag:s30] =	ssyncadd.s32 $0xFFFFC000  }
0x9f: {  	[hbm4b:s4+s3] =	stream.linear.scatter [tilespmem:s25], [sflag:$0x5], $0x4000, $0x38;
	[tilespmem:$0x17200] =	vst v63  }
0xa0: {  	_ =	swait.ge [sflag:s15], $0x4000  }
0xa1: {  	[sflag:s15] =	ssyncset.done $0x0  }
0xa2: {  	s31 =	sadd.s32 $0x1, s31  }
0xa3: {  	p0 =	sne.s32 s31, s10  }
.Ltmp2:
0xa4: {  	_ = 	snop;
	(pc) =	sbr.rel @p0 .LBB2_1-.Ltmp2, $2  }
0xa5: {  	_ =	sdelay $0x2  }
0xa6: {  	[sflag:s15] =	ssyncadd.s32 $0xFFFFC000  }
0xa7: {  	_ =	sfence.sel $0x180000  }
0xa8: {  	[bflag:$0x0] =	sbarrier.arrive $0xFFFF  }
0xa9: {  	_ =	strace $0x90000047  }
0xaa: {  	s0 =	stileid.u32;
	[bflag:$0x2] =	sbarrier.arrive $0xFFFF  }
0xab: {  	p0 =	sne.s32 s0, $0x0;
	s0 =	rddreg [dreg:$0x4]  }
0xac: {  	s0 =	sadd.s32 @!p0 $0x100000, s0  }
0xad: {  	[sflag:s0] =	ssyncadd.tile.s32 @!p0 $0x1;
	_ =	shalt  }
.Lfunc_end2:
_tile_overlayer_lowered:
.L_overlay_start_2:
0xae: {  	(tag) =	ssettag $0x2  }
0xaf: {  	s0 =	rddreg [dreg:$0x0];
	s2 =	stileid.u32  }
0xb0: {  	s1 =	rddreg [dreg:$0x1];
	p0 =	sne.s32 s2, $0x0  }
0xb1: {  	s3 =	rddreg [dreg:$0x2];
	[bflag:$0x3] =	sbarrier.arrive $0xFFFF;
	s2 =	simm.s32 @!p0 $0x1C05  }
0xb2: {  	[timem:s3], [sflag:s2] =	dma.local @!p0 [hbm:s0], s1  }
0xb3: {  	s0 =	simm.s32 @!p0 $0x5  }
0xb4: {  	_ =	swait.ge @!p0 [sflag:s0], s1  }
0xb5: {  	s1 =	ssub.s32 @!p0 $0x0, s1;
	[sflag:s0] =	ssyncset.done @!p0 $0x0  }
0xb6: {  	[sflag:s0] =	ssyncadd.s32 @!p0 s1  }
0xb7: {  	[bflag:$0x3] =	sbarrier.arrive $0xFFFF  }
0xb8: {  	_ =	shalt  }

</sc_bundles>
